<compile_context>
chip_gen: v7x
topology: tpu7x:2x2x1
jax: 0.10.2.dev20260603
libtpu: 0.0.44.dev20260713+nightly
codegen_flags: <defaults>
</compile_context>

<pallas_src>
import functools

import jax
import jax.numpy as jnp
from jax import lax
from jax.experimental import pallas as pl
from jax.experimental.pallas import tpu as pltpu
from jax.experimental.pallas import tpu_sc as plsc

V_SIZE = 100000
B = 1024
L = 200
LP = 216
NC, NS = 2, 16
NW = NC * NS
ROWS = B // NW
NCH = (L + 15) // 16


def _softmax_body(w_ref, o_ref):
    w = w_ref[...]
    m = jnp.max(w, axis=-1, keepdims=True)
    e = jnp.exp(w - m)
    o_ref[...] = e / jnp.sum(e, axis=-1, keepdims=True)


_softmax = pl.pallas_call(
    _softmax_body,
    out_shape=jax.ShapeDtypeStruct((B, L), jnp.float32),
)

_mesh = plsc.VectorSubcoreMesh(core_axis_name="c", subcore_axis_name="s")


HALF = V_SIZE // 2


@functools.partial(
    pl.kernel,
    mesh=_mesh,
    compiler_params=pltpu.CompilerParams(
        needs_layout_passes=False, use_tc_tiling_on_sc=False
    ),
    out_type=jax.ShapeDtypeStruct((B, V_SIZE), jnp.float32),
    scratch_types=[
        pltpu.VMEM((HALF,), jnp.float32),
        pltpu.VMEM((HALF,), jnp.float32),
        pltpu.VMEM((ROWS, L), jnp.int32),
        pltpu.VMEM((ROWS, L), jnp.float32),
        pltpu.SemaphoreType.DMA,
        pltpu.SemaphoreType.DMA,
    ],
)
def _onehot_scatter(xs_hbm, ws_hbm, w_a_hbm, bufa, bufb, xv, wv, sema, semb):
    wid = lax.axis_index("s") * NC + lax.axis_index("c")
    zeros16 = jnp.zeros((16,), jnp.float32)

    def _memset(i, carry):
        bufa[pl.ds(i * 16, 16)] = zeros16
        bufb[pl.ds(i * 16, 16)] = zeros16
        return carry

    lax.fori_loop(0, HALF // 16, _memset, 0)
    pltpu.sync_copy(xs_hbm.at[pl.ds(wid * ROWS, ROWS)], xv)
    pltpu.sync_copy(ws_hbm.at[pl.ds(wid * ROWS, ROWS)], wv)

    def _row(r, carry):
        b = wid * ROWS + r
        idxs = []
        vals = []
        for k in range(NCH - 1):
            idxs.append(xv[r, pl.ds(k * 16, 16)])
            vals.append(wv[r, pl.ds(k * 16, 16)])
        idxs.append(xv[r, pl.ds(L - 16, 16)])
        vals.append(wv[r, pl.ds(L - 16, 16)])

        def scatter_half(buf, lo, restore):
            for k in range(NCH):
                idx = idxs[k] - lo
                mask = (idx >= 0) & (idx < HALF)
                plsc.store_scatter(
                    buf, [jnp.where(mask, idx, 0)],
                    zeros16 if restore else vals[k], mask=mask)

        scatter_half(bufa, 0, False)
        cpa = pltpu.async_copy(bufa, w_a_hbm.at[b, pl.ds(0, HALF)], sema)
        scatter_half(bufb, HALF, False)
        cpb = pltpu.async_copy(bufb, w_a_hbm.at[b, pl.ds(HALF, HALF)], semb)
        cpa.wait()
        scatter_half(bufa, 0, True)
        cpb.wait()
        scatter_half(bufb, HALF, True)
        return carry

    lax.fori_loop(0, ROWS, _row, 0)


def kernel(indices, w_es, x):
    del indices
    x = x.astype(jnp.int32)
    weights = _softmax(w_es)

    b_idx = jnp.broadcast_to(jnp.arange(B, dtype=jnp.int32)[:, None], (B, L))
    key = (x * B + b_idx).reshape(-1)
    kg, wg = lax.sort_key_val(key, weights.reshape(-1), is_stable=False)
    nxt = jnp.concatenate([kg[1:], jnp.full((1,), -1, jnp.int32)])
    keep = kg != nxt
    bb = kg % B
    vv = kg // B
    key2 = bb * (V_SIZE + 1) + jnp.where(keep, vv, V_SIZE)
    kg2, wg2 = lax.sort_key_val(key2, wg, is_stable=False)
    xs = (kg2 % (V_SIZE + 1)).reshape(B, L)
    ws = wg2.reshape(B, L)

    w_a = _onehot_scatter(xs, ws)
    return (w_a, weights)

# --- scband reference (transcript-rebuilt; emitter-appended) ---
"""Pipeline reference for scband-one-hot-weighted-average-63694365000152 (READ-ONLY COPY).

The authoritative reference and input builder live on the scoring server;
editing this copy changes nothing except your own understanding.
"""

import jax, jax.numpy as jnp
import numpy as np

V_SIZE = 100000
B, L = 1024, 200


def setup_inputs(seed: int = 0) -> dict:
    key = jax.random.key(seed)
    k1, k2, k3 = jax.random.split(key, 3)
    indices = jax.random.randint(k1, (B, L), 0, V_SIZE)
    w_es = jax.random.normal(k2, (B, L), dtype=jnp.float32)
    x = jax.random.randint(k3, (B, L), 0, V_SIZE)
    return {"indices": indices, "w_es": w_es, "x": x}


def reference(indices, w_es, x):
    # weighting_scheme: softmax over the history positions (concrete instantiation
    # of the user-supplied callable); to_device is identity.
    weights = jax.nn.softmax(w_es, axis=-1)
    b, l = x.shape
    b_idx = jnp.broadcast_to(jnp.arange(b)[:, None], (b, l))
    # scatter-overwrite: w_a[b, x[b, i]] = weights[b, i]
    w_a = jnp.zeros((b, V_SIZE), dtype=w_es.dtype)
    w_a = w_a.at[b_idx, x].set(weights)
    return (w_a, weights)

if __name__ == "__main__":
    import jax
    _d = setup_inputs()
    print(jax.jit(kernel)(*tuple(_d.values())))

</pallas_src>

<mosaic_0001>
#map = affine_map<(d0, d1) -> (0, 0)>
module attributes {stable_mosaic.version = 14 : i64} {
  func.func @_onehot_scatter(%arg0: i32, %arg1: i32, %arg2: memref<1024x200xi32, #tpu.memory_space<hbm>>, %arg3: memref<1024x200xf32, #tpu.memory_space<hbm>>, %arg4: memref<1024x100000xf32, #tpu.memory_space<hbm>>, %arg5: memref<50000xf32, #tpu.memory_space<vmem>>, %arg6: memref<50000xf32, #tpu.memory_space<vmem>>, %arg7: memref<32x200xi32, #tpu.memory_space<vmem>>, %arg8: memref<32x200xf32, #tpu.memory_space<vmem>>, %arg9: memref<!tpu.dma_semaphore, #tpu.memory_space<semaphore_mem>>, %arg10: memref<!tpu.dma_semaphore, #tpu.memory_space<semaphore_mem>>) attributes {dimension_semantics = [#tpu.dimension_semantics<core_parallel>, #tpu.dimension_semantics<subcore_parallel>], iteration_bounds = array<i64: 2, 16>, scalar_prefetch = 0 : i64, scratch_operands = 6 : i64, tpu.core_type = #tpu.core_type<sc_vector_subcore>, window_params = [{transform_indices = #map}, {transform_indices = #map}, {transform_indices = #map}]} {
    %mul3A = arith.constant 2 : i32
    %mul3A_0 = arith.muli %arg1, %mul3A : i32
    %add3A = arith.addi %mul3A_0, %arg0 : i32
    %broadcast_in_dim3A = arith.constant 0.000000e+00 : f32
    %broadcast_in_dim3A_1 = vector.broadcast %broadcast_in_dim3A : f32 to vector<16xf32>
    %scan3A = arith.constant 0 : i32
    %scan3A_2 = arith.constant 0 : i32
    %scan3A_3 = arith.constant 3125 : i32
    %scan3A_4 = arith.addi %scan3A_2, %scan3A_3 : i32
    %scan3A_5 = arith.constant 1 : i32
    scf.for %scan3A_17 = %scan3A_2 to %scan3A_4 step %scan3A_5  : i32 {
      %mul3A_18 = arith.constant 16 : i32
      %mul3A_19 = arith.muli %scan3A_17, %mul3A_18 : i32
      %swap3A = arith.index_cast %mul3A_19 : i32 to index
      %swap3A_20 = tpu.vector_load %arg5[%swap3A] {strides = array<i32>} : memref<50000xf32, #tpu.memory_space<vmem>>, vector<16xf32>,
      tpu.vector_store %arg5[%swap3A], %broadcast_in_dim3A_1 {strides = array<i32>} : memref<50000xf32, #tpu.memory_space<vmem>>, vector<16xf32>,
      %mul3A_21 = arith.constant 16 : i32
      %mul3A_22 = arith.muli %scan3A_17, %mul3A_21 : i32
      %swap3A_23 = arith.index_cast %mul3A_22 : i32 to index
      %swap3A_24 = tpu.vector_load %arg6[%swap3A_23] {strides = array<i32>} : memref<50000xf32, #tpu.memory_space<vmem>>, vector<16xf32>,
      tpu.vector_store %arg6[%swap3A_23], %broadcast_in_dim3A_1 {strides = array<i32>} : memref<50000xf32, #tpu.memory_space<vmem>>, vector<16xf32>,
    }
    %scan3A_6 = arith.constant 3125 : i32
    %mul3A_7 = arith.constant 32 : i32
    %mul3A_8 = arith.muli %add3A, %mul3A_7 : i32
    "tpu.region"() ({
      %run_scoped3A = tpu.sem_alloc : memref<!tpu.dma_semaphore, #tpu.memory_space<semaphore_mem>>
      %dma_start3A = arith.constant 0 : i32
      %dma_start3A_17 = tpu.memref_slice %arg2[%mul3A_8, %dma_start3A] : memref<1024x200xi32, #tpu.memory_space<hbm>> -> memref<32x200xi32, #tpu.memory_space<hbm>>
      %dma_start3A_18 = arith.constant 0 : i32
      %dma_start3A_19 = tpu.memref_slice %arg2[%mul3A_8, %dma_start3A_18] : memref<1024x200xi32, #tpu.memory_space<hbm>> -> memref<32x200xi32, #tpu.memory_space<hbm>>
      tpu.enqueue_dma source(%dma_start3A_19 : memref<32x200xi32, #tpu.memory_space<hbm>>) target(%arg7 : memref<32x200xi32, #tpu.memory_space<vmem>>) target_semaphore(%run_scoped3A : memref<!tpu.dma_semaphore, #tpu.memory_space<semaphore_mem>>)
      %dma_wait3A = arith.constant 0 : i32
      %dma_wait3A_20 = tpu.memref_slice %arg2[%mul3A_8, %dma_wait3A] : memref<1024x200xi32, #tpu.memory_space<hbm>> -> memref<32x200xi32, #tpu.memory_space<hbm>>
      %dma_wait3A_21 = arith.constant 0 : i32
      %dma_wait3A_22 = tpu.memref_slice %arg2[%mul3A_8, %dma_wait3A_21] : memref<1024x200xi32, #tpu.memory_space<hbm>> -> memref<32x200xi32, #tpu.memory_space<hbm>>
      tpu.wait_dma2 semaphore(%run_scoped3A : memref<!tpu.dma_semaphore, #tpu.memory_space<semaphore_mem>>) src(%dma_wait3A_22 : memref<32x200xi32, #tpu.memory_space<hbm>>) dst(%arg7 : memref<32x200xi32, #tpu.memory_space<vmem>>)
      tpu.yield
    }) : () -> ()
    %mul3A_9 = arith.constant 32 : i32
    %mul3A_10 = arith.muli %add3A, %mul3A_9 : i32
    "tpu.region"() ({
      %run_scoped3A = tpu.sem_alloc : memref<!tpu.dma_semaphore, #tpu.memory_space<semaphore_mem>>
      %dma_start3A = arith.constant 0 : i32
      %dma_start3A_17 = tpu.memref_slice %arg3[%mul3A_10, %dma_start3A] : memref<1024x200xf32, #tpu.memory_space<hbm>> -> memref<32x200xf32, #tpu.memory_space<hbm>>
      %dma_start3A_18 = arith.constant 0 : i32
      %dma_start3A_19 = tpu.memref_slice %arg3[%mul3A_10, %dma_start3A_18] : memref<1024x200xf32, #tpu.memory_space<hbm>> -> memref<32x200xf32, #tpu.memory_space<hbm>>
      tpu.enqueue_dma source(%dma_start3A_19 : memref<32x200xf32, #tpu.memory_space<hbm>>) target(%arg8 : memref<32x200xf32, #tpu.memory_space<vmem>>) target_semaphore(%run_scoped3A : memref<!tpu.dma_semaphore, #tpu.memory_space<semaphore_mem>>)
      %dma_wait3A = arith.constant 0 : i32
      %dma_wait3A_20 = tpu.memref_slice %arg3[%mul3A_10, %dma_wait3A] : memref<1024x200xf32, #tpu.memory_space<hbm>> -> memref<32x200xf32, #tpu.memory_space<hbm>>
      %dma_wait3A_21 = arith.constant 0 : i32
      %dma_wait3A_22 = tpu.memref_slice %arg3[%mul3A_10, %dma_wait3A_21] : memref<1024x200xf32, #tpu.memory_space<hbm>> -> memref<32x200xf32, #tpu.memory_space<hbm>>
      tpu.wait_dma2 semaphore(%run_scoped3A : memref<!tpu.dma_semaphore, #tpu.memory_space<semaphore_mem>>) src(%dma_wait3A_22 : memref<32x200xf32, #tpu.memory_space<hbm>>) dst(%arg8 : memref<32x200xf32, #tpu.memory_space<vmem>>)
      tpu.yield
    }) : () -> ()
    %scan3A_11 = arith.constant 0 : i32
    %scan3A_12 = arith.constant 0 : i32
    %scan3A_13 = arith.constant 32 : i32
    %scan3A_14 = arith.addi %scan3A_12, %scan3A_13 : i32
    %scan3A_15 = arith.constant 1 : i32
    scf.for %scan3A_17 = %scan3A_12 to %scan3A_14 step %scan3A_15  : i32 {
      %mul3A_18 = arith.constant 32 : i32
      %mul3A_19 = arith.muli %add3A, %mul3A_18 : i32
      %add3A_20 = arith.addi %mul3A_19, %scan3A_17 : i32
      %get3A = arith.index_cast %scan3A_17 : i32 to index
      %get3A_21 = arith.constant 0 : index
      %get3A_22 = tpu.vector_load %arg7[%get3A, %get3A_21] {strides = array<i32>} : memref<32x200xi32, #tpu.memory_space<vmem>>, vector<16xi32>,
      %get3A_23 = arith.index_cast %scan3A_17 : i32 to index
      %get3A_24 = arith.constant 0 : index
      %get3A_25 = tpu.vector_load %arg8[%get3A_23, %get3A_24] {strides = array<i32>} : memref<32x200xf32, #tpu.memory_space<vmem>>, vector<16xf32>,
      %get3A_26 = arith.index_cast %scan3A_17 : i32 to index
      %get3A_27 = arith.constant 16 : index
      %get3A_28 = tpu.vector_load %arg7[%get3A_26, %get3A_27] {strides = array<i32>} : memref<32x200xi32, #tpu.memory_space<vmem>>, vector<16xi32>,
      %get3A_29 = arith.index_cast %scan3A_17 : i32 to index
      %get3A_30 = arith.constant 16 : index
      %get3A_31 = tpu.vector_load %arg8[%get3A_29, %get3A_30] {strides = array<i32>} : memref<32x200xf32, #tpu.memory_space<vmem>>, vector<16xf32>,
      %get3A_32 = arith.index_cast %scan3A_17 : i32 to index
      %get3A_33 = arith.constant 32 : index
      %get3A_34 = tpu.vector_load %arg7[%get3A_32, %get3A_33] {strides = array<i32>} : memref<32x200xi32, #tpu.memory_space<vmem>>, vector<16xi32>,
      %get3A_35 = arith.index_cast %scan3A_17 : i32 to index
      %get3A_36 = arith.constant 32 : index
      %get3A_37 = tpu.vector_load %arg8[%get3A_35, %get3A_36] {strides = array<i32>} : memref<32x200xf32, #tpu.memory_space<vmem>>, vector<16xf32>,
      %get3A_38 = arith.index_cast %scan3A_17 : i32 to index
      %get3A_39 = arith.constant 48 : index
      %get3A_40 = tpu.vector_load %arg7[%get3A_38, %get3A_39] {strides = array<i32>} : memref<32x200xi32, #tpu.memory_space<vmem>>, vector<16xi32>,
      %get3A_41 = arith.index_cast %scan3A_17 : i32 to index
      %get3A_42 = arith.constant 48 : index
      %get3A_43 = tpu.vector_load %arg8[%get3A_41, %get3A_42] {strides = array<i32>} : memref<32x200xf32, #tpu.memory_space<vmem>>, vector<16xf32>,
      %get3A_44 = arith.index_cast %scan3A_17 : i32 to index
      %get3A_45 = arith.constant 64 : index
      %get3A_46 = tpu.vector_load %arg7[%get3A_44, %get3A_45] {strides = array<i32>} : memref<32x200xi32, #tpu.memory_space<vmem>>, vector<16xi32>,
      %get3A_47 = arith.index_cast %scan3A_17 : i32 to index
      %get3A_48 = arith.constant 64 : index
      %get3A_49 = tpu.vector_load %arg8[%get3A_47, %get3A_48] {strides = array<i32>} : memref<32x200xf32, #tpu.memory_space<vmem>>, vector<16xf32>,
      %get3A_50 = arith.index_cast %scan3A_17 : i32 to index
      %get3A_51 = arith.constant 80 : index
      %get3A_52 = tpu.vector_load %arg7[%get3A_50, %get3A_51] {strides = array<i32>} : memref<32x200xi32, #tpu.memory_space<vmem>>, vector<16xi32>,
      %get3A_53 = arith.index_cast %scan3A_17 : i32 to index
      %get3A_54 = arith.constant 80 : index
      %get3A_55 = tpu.vector_load %arg8[%get3A_53, %get3A_54] {strides = array<i32>} : memref<32x200xf32, #tpu.memory_space<vmem>>, vector<16xf32>,
      %get3A_56 = arith.index_cast %scan3A_17 : i32 to index
      %get3A_57 = arith.constant 96 : index
      %get3A_58 = tpu.vector_load %arg7[%get3A_56, %get3A_57] {strides = array<i32>} : memref<32x200xi32, #tpu.memory_space<vmem>>, vector<16xi32>,
      %get3A_59 = arith.index_cast %scan3A_17 : i32 to index
      %get3A_60 = arith.constant 96 : index
      %get3A_61 = tpu.vector_load %arg8[%get3A_59, %get3A_60] {strides = array<i32>} : memref<32x200xf32, #tpu.memory_space<vmem>>, vector<16xf32>,
      %get3A_62 = arith.index_cast %scan3A_17 : i32 to index
      %get3A_63 = arith.constant 112 : index
      %get3A_64 = tpu.vector_load %arg7[%get3A_62, %get3A_63] {strides = array<i32>} : memref<32x200xi32, #tpu.memory_space<vmem>>, vector<16xi32>,
      %get3A_65 = arith.index_cast %scan3A_17 : i32 to index
      %get3A_66 = arith.constant 112 : index
      %get3A_67 = tpu.vector_load %arg8[%get3A_65, %get3A_66] {strides = array<i32>} : memref<32x200xf32, #tpu.memory_space<vmem>>, vector<16xf32>,
      %get3A_68 = arith.index_cast %scan3A_17 : i32 to index
      %get3A_69 = arith.constant 128 : index
      %get3A_70 = tpu.vector_load %arg7[%get3A_68, %get3A_69] {strides = array<i32>} : memref<32x200xi32, #tpu.memory_space<vmem>>, vector<16xi32>,
      %get3A_71 = arith.index_cast %scan3A_17 : i32 to index
      %get3A_72 = arith.constant 128 : index
      %get3A_73 = tpu.vector_load %arg8[%get3A_71, %get3A_72] {strides = array<i32>} : memref<32x200xf32, #tpu.memory_space<vmem>>, vector<16xf32>,
      %get3A_74 = arith.index_cast %scan3A_17 : i32 to index
      %get3A_75 = arith.constant 144 : index
      %get3A_76 = tpu.vector_load %arg7[%get3A_74, %get3A_75] {strides = array<i32>} : memref<32x200xi32, #tpu.memory_space<vmem>>, vector<16xi32>,
      %get3A_77 = arith.index_cast %scan3A_17 : i32 to index
      %get3A_78 = arith.constant 144 : index
      %get3A_79 = tpu.vector_load %arg8[%get3A_77, %get3A_78] {strides = array<i32>} : memref<32x200xf32, #tpu.memory_space<vmem>>, vector<16xf32>,
      %get3A_80 = arith.index_cast %scan3A_17 : i32 to index
      %get3A_81 = arith.constant 160 : index
      %get3A_82 = tpu.vector_load %arg7[%get3A_80, %get3A_81] {strides = array<i32>} : memref<32x200xi32, #tpu.memory_space<vmem>>, vector<16xi32>,
      %get3A_83 = arith.index_cast %scan3A_17 : i32 to index
      %get3A_84 = arith.constant 160 : index
      %get3A_85 = tpu.vector_load %arg8[%get3A_83, %get3A_84] {strides = array<i32>} : memref<32x200xf32, #tpu.memory_space<vmem>>, vector<16xf32>,
      %get3A_86 = arith.index_cast %scan3A_17 : i32 to index
      %get3A_87 = arith.constant 176 : index
      %get3A_88 = tpu.vector_load %arg7[%get3A_86, %get3A_87] {strides = array<i32>} : memref<32x200xi32, #tpu.memory_space<vmem>>, vector<16xi32>,
      %get3A_89 = arith.index_cast %scan3A_17 : i32 to index
      %get3A_90 = arith.constant 176 : index
      %get3A_91 = tpu.vector_load %arg8[%get3A_89, %get3A_90] {strides = array<i32>} : memref<32x200xf32, #tpu.memory_space<vmem>>, vector<16xf32>,
      %get3A_92 = arith.index_cast %scan3A_17 : i32 to index
      %get3A_93 = arith.constant 184 : index
      %get3A_94 = tpu.vector_load %arg7[%get3A_92, %get3A_93] {strides = array<i32>} : memref<32x200xi32, #tpu.memory_space<vmem>>, vector<16xi32>,
      %get3A_95 = arith.index_cast %scan3A_17 : i32 to index
      %get3A_96 = arith.constant 184 : index
      %get3A_97 = tpu.vector_load %arg8[%get3A_95, %get3A_96] {strides = array<i32>} : memref<32x200xf32, #tpu.memory_space<vmem>>, vector<16xf32>,
      %sub3A = arith.constant 0 : i32
      %sub3A_98 = vector.broadcast %sub3A : i32 to vector<16xi32>
      %sub3A_99 = arith.subi %get3A_22, %sub3A_98 : vector<16xi32>
      %ge3A = arith.constant 0 : i32
      %ge3A_100 = vector.broadcast %ge3A : i32 to vector<16xi32>
      %ge3A_101 = arith.cmpi sge, %sub3A_99, %ge3A_100 : vector<16xi32>
      %lt3A = arith.constant 50000 : i32
      %lt3A_102 = vector.broadcast %lt3A : i32 to vector<16xi32>
      %lt3A_103 = arith.cmpi slt, %sub3A_99, %lt3A_102 : vector<16xi32>
      %and3A = arith.andi %ge3A_101, %lt3A_103 : vector<16xi1>
      %jit3A = arith.constant 0 : i32
      %broadcast_in_dim3A_104 = vector.broadcast %jit3A : i32 to vector<16xi32>
      %select_n3A = arith.select %and3A, %sub3A_99, %broadcast_in_dim3A_104 : vector<16xi1>, vector<16xi32>
      tpu.vector_store_idx %arg5[%select_n3A], %get3A_25 masked %and3A : memref<50000xf32, #tpu.memory_space<vmem>>[vector<16xi32>], vector<16xf32>, vector<16xi1>
      %sub3A_105 = arith.constant 0 : i32
      %sub3A_106 = vector.broadcast %sub3A_105 : i32 to vector<16xi32>
      %sub3A_107 = arith.subi %get3A_28, %sub3A_106 : vector<16xi32>
      %ge3A_108 = arith.constant 0 : i32
      %ge3A_109 = vector.broadcast %ge3A_108 : i32 to vector<16xi32>
      %ge3A_110 = arith.cmpi sge, %sub3A_107, %ge3A_109 : vector<16xi32>
      %lt3A_111 = arith.constant 50000 : i32
      %lt3A_112 = vector.broadcast %lt3A_111 : i32 to vector<16xi32>
      %lt3A_113 = arith.cmpi slt, %sub3A_107, %lt3A_112 : vector<16xi32>
      %and3A_114 = arith.andi %ge3A_110, %lt3A_113 : vector<16xi1>
      %jit3A_115 = arith.constant 0 : i32
      %broadcast_in_dim3A_116 = vector.broadcast %jit3A_115 : i32 to vector<16xi32>
      %select_n3A_117 = arith.select %and3A_114, %sub3A_107, %broadcast_in_dim3A_116 : vector<16xi1>, vector<16xi32>
      tpu.vector_store_idx %arg5[%select_n3A_117], %get3A_31 masked %and3A_114 : memref<50000xf32, #tpu.memory_space<vmem>>[vector<16xi32>], vector<16xf32>, vector<16xi1>
      %sub3A_118 = arith.constant 0 : i32
      %sub3A_119 = vector.broadcast %sub3A_118 : i32 to vector<16xi32>
      %sub3A_120 = arith.subi %get3A_34, %sub3A_119 : vector<16xi32>
      %ge3A_121 = arith.constant 0 : i32
      %ge3A_122 = vector.broadcast %ge3A_121 : i32 to vector<16xi32>
      %ge3A_123 = arith.cmpi sge, %sub3A_120, %ge3A_122 : vector<16xi32>
      %lt3A_124 = arith.constant 50000 : i32
      %lt3A_125 = vector.broadcast %lt3A_124 : i32 to vector<16xi32>
      %lt3A_126 = arith.cmpi slt, %sub3A_120, %lt3A_125 : vector<16xi32>
      %and3A_127 = arith.andi %ge3A_123, %lt3A_126 : vector<16xi1>
      %jit3A_128 = arith.constant 0 : i32
      %broadcast_in_dim3A_129 = vector.broadcast %jit3A_128 : i32 to vector<16xi32>
      %select_n3A_130 = arith.select %and3A_127, %sub3A_120, %broadcast_in_dim3A_129 : vector<16xi1>, vector<16xi32>
      tpu.vector_store_idx %arg5[%select_n3A_130], %get3A_37 masked %and3A_127 : memref<50000xf32, #tpu.memory_space<vmem>>[vector<16xi32>], vector<16xf32>, vector<16xi1>
      %sub3A_131 = arith.constant 0 : i32
      %sub3A_132 = vector.broadcast %sub3A_131 : i32 to vector<16xi32>
      %sub3A_133 = arith.subi %get3A_40, %sub3A_132 : vector<16xi32>
      %ge3A_134 = arith.constant 0 : i32
      %ge3A_135 = vector.broadcast %ge3A_134 : i32 to vector<16xi32>
      %ge3A_136 = arith.cmpi sge, %sub3A_133, %ge3A_135 : vector<16xi32>
      %lt3A_137 = arith.constant 50000 : i32
      %lt3A_138 = vector.broadcast %lt3A_137 : i32 to vector<16xi32>
      %lt3A_139 = arith.cmpi slt, %sub3A_133, %lt3A_138 : vector<16xi32>
      %and3A_140 = arith.andi %ge3A_136, %lt3A_139 : vector<16xi1>
      %jit3A_141 = arith.constant 0 : i32
      %broadcast_in_dim3A_142 = vector.broadcast %jit3A_141 : i32 to vector<16xi32>
      %select_n3A_143 = arith.select %and3A_140, %sub3A_133, %broadcast_in_dim3A_142 : vector<16xi1>, vector<16xi32>
      tpu.vector_store_idx %arg5[%select_n3A_143], %get3A_43 masked %and3A_140 : memref<50000xf32, #tpu.memory_space<vmem>>[vector<16xi32>], vector<16xf32>, vector<16xi1>
      %sub3A_144 = arith.constant 0 : i32
      %sub3A_145 = vector.broadcast %sub3A_144 : i32 to vector<16xi32>
      %sub3A_146 = arith.subi %get3A_46, %sub3A_145 : vector<16xi32>
      %ge3A_147 = arith.constant 0 : i32
      %ge3A_148 = vector.broadcast %ge3A_147 : i32 to vector<16xi32>
      %ge3A_149 = arith.cmpi sge, %sub3A_146, %ge3A_148 : vector<16xi32>
      %lt3A_150 = arith.constant 50000 : i32
      %lt3A_151 = vector.broadcast %lt3A_150 : i32 to vector<16xi32>
      %lt3A_152 = arith.cmpi slt, %sub3A_146, %lt3A_151 : vector<16xi32>
      %and3A_153 = arith.andi %ge3A_149, %lt3A_152 : vector<16xi1>
      %jit3A_154 = arith.constant 0 : i32
      %broadcast_in_dim3A_155 = vector.broadcast %jit3A_154 : i32 to vector<16xi32>
      %select_n3A_156 = arith.select %and3A_153, %sub3A_146, %broadcast_in_dim3A_155 : vector<16xi1>, vector<16xi32>
      tpu.vector_store_idx %arg5[%select_n3A_156], %get3A_49 masked %and3A_153 : memref<50000xf32, #tpu.memory_space<vmem>>[vector<16xi32>], vector<16xf32>, vector<16xi1>
      %sub3A_157 = arith.constant 0 : i32
      %sub3A_158 = vector.broadcast %sub3A_157 : i32 to vector<16xi32>
      %sub3A_159 = arith.subi %get3A_52, %sub3A_158 : vector<16xi32>
      %ge3A_160 = arith.constant 0 : i32
      %ge3A_161 = vector.broadcast %ge3A_160 : i32 to vector<16xi32>
      %ge3A_162 = arith.cmpi sge, %sub3A_159, %ge3A_161 : vector<16xi32>
      %lt3A_163 = arith.constant 50000 : i32
      %lt3A_164 = vector.broadcast %lt3A_163 : i32 to vector<16xi32>
      %lt3A_165 = arith.cmpi slt, %sub3A_159, %lt3A_164 : vector<16xi32>
      %and3A_166 = arith.andi %ge3A_162, %lt3A_165 : vector<16xi1>
      %jit3A_167 = arith.constant 0 : i32
      %broadcast_in_dim3A_168 = vector.broadcast %jit3A_167 : i32 to vector<16xi32>
      %select_n3A_169 = arith.select %and3A_166, %sub3A_159, %broadcast_in_dim3A_168 : vector<16xi1>, vector<16xi32>
      tpu.vector_store_idx %arg5[%select_n3A_169], %get3A_55 masked %and3A_166 : memref<50000xf32, #tpu.memory_space<vmem>>[vector<16xi32>], vector<16xf32>, vector<16xi1>
      %sub3A_170 = arith.constant 0 : i32
      %sub3A_171 = vector.broadcast %sub3A_170 : i32 to vector<16xi32>
      %sub3A_172 = arith.subi %get3A_58, %sub3A_171 : vector<16xi32>
      %ge3A_173 = arith.constant 0 : i32
      %ge3A_174 = vector.broadcast %ge3A_173 : i32 to vector<16xi32>
      %ge3A_175 = arith.cmpi sge, %sub3A_172, %ge3A_174 : vector<16xi32>
      %lt3A_176 = arith.constant 50000 : i32
      %lt3A_177 = vector.broadcast %lt3A_176 : i32 to vector<16xi32>
      %lt3A_178 = arith.cmpi slt, %sub3A_172, %lt3A_177 : vector<16xi32>
      %and3A_179 = arith.andi %ge3A_175, %lt3A_178 : vector<16xi1>
      %jit3A_180 = arith.constant 0 : i32
      %broadcast_in_dim3A_181 = vector.broadcast %jit3A_180 : i32 to vector<16xi32>
      %select_n3A_182 = arith.select %and3A_179, %sub3A_172, %broadcast_in_dim3A_181 : vector<16xi1>, vector<16xi32>
      tpu.vector_store_idx %arg5[%select_n3A_182], %get3A_61 masked %and3A_179 : memref<50000xf32, #tpu.memory_space<vmem>>[vector<16xi32>], vector<16xf32>, vector<16xi1>
      %sub3A_183 = arith.constant 0 : i32
      %sub3A_184 = vector.broadcast %sub3A_183 : i32 to vector<16xi32>
      %sub3A_185 = arith.subi %get3A_64, %sub3A_184 : vector<16xi32>
      %ge3A_186 = arith.constant 0 : i32
      %ge3A_187 = vector.broadcast %ge3A_186 : i32 to vector<16xi32>
      %ge3A_188 = arith.cmpi sge, %sub3A_185, %ge3A_187 : vector<16xi32>
      %lt3A_189 = arith.constant 50000 : i32
      %lt3A_190 = vector.broadcast %lt3A_189 : i32 to vector<16xi32>
      %lt3A_191 = arith.cmpi slt, %sub3A_185, %lt3A_190 : vector<16xi32>
      %and3A_192 = arith.andi %ge3A_188, %lt3A_191 : vector<16xi1>
      %jit3A_193 = arith.constant 0 : i32
      %broadcast_in_dim3A_194 = vector.broadcast %jit3A_193 : i32 to vector<16xi32>
      %select_n3A_195 = arith.select %and3A_192, %sub3A_185, %broadcast_in_dim3A_194 : vector<16xi1>, vector<16xi32>
      tpu.vector_store_idx %arg5[%select_n3A_195], %get3A_67 masked %and3A_192 : memref<50000xf32, #tpu.memory_space<vmem>>[vector<16xi32>], vector<16xf32>, vector<16xi1>
      %sub3A_196 = arith.constant 0 : i32
      %sub3A_197 = vector.broadcast %sub3A_196 : i32 to vector<16xi32>
      %sub3A_198 = arith.subi %get3A_70, %sub3A_197 : vector<16xi32>
      %ge3A_199 = arith.constant 0 : i32
      %ge3A_200 = vector.broadcast %ge3A_199 : i32 to vector<16xi32>
      %ge3A_201 = arith.cmpi sge, %sub3A_198, %ge3A_200 : vector<16xi32>
      %lt3A_202 = arith.constant 50000 : i32
      %lt3A_203 = vector.broadcast %lt3A_202 : i32 to vector<16xi32>
      %lt3A_204 = arith.cmpi slt, %sub3A_198, %lt3A_203 : vector<16xi32>
      %and3A_205 = arith.andi %ge3A_201, %lt3A_204 : vector<16xi1>
      %jit3A_206 = arith.constant 0 : i32
      %broadcast_in_dim3A_207 = vector.broadcast %jit3A_206 : i32 to vector<16xi32>
      %select_n3A_208 = arith.select %and3A_205, %sub3A_198, %broadcast_in_dim3A_207 : vector<16xi1>, vector<16xi32>
      tpu.vector_store_idx %arg5[%select_n3A_208], %get3A_73 masked %and3A_205 : memref<50000xf32, #tpu.memory_space<vmem>>[vector<16xi32>], vector<16xf32>, vector<16xi1>
      %sub3A_209 = arith.constant 0 : i32
      %sub3A_210 = vector.broadcast %sub3A_209 : i32 to vector<16xi32>
      %sub3A_211 = arith.subi %get3A_76, %sub3A_210 : vector<16xi32>
      %ge3A_212 = arith.constant 0 : i32
      %ge3A_213 = vector.broadcast %ge3A_212 : i32 to vector<16xi32>
      %ge3A_214 = arith.cmpi sge, %sub3A_211, %ge3A_213 : vector<16xi32>
      %lt3A_215 = arith.constant 50000 : i32
      %lt3A_216 = vector.broadcast %lt3A_215 : i32 to vector<16xi32>
      %lt3A_217 = arith.cmpi slt, %sub3A_211, %lt3A_216 : vector<16xi32>
      %and3A_218 = arith.andi %ge3A_214, %lt3A_217 : vector<16xi1>
      %jit3A_219 = arith.constant 0 : i32
      %broadcast_in_dim3A_220 = vector.broadcast %jit3A_219 : i32 to vector<16xi32>
      %select_n3A_221 = arith.select %and3A_218, %sub3A_211, %broadcast_in_dim3A_220 : vector<16xi1>, vector<16xi32>
      tpu.vector_store_idx %arg5[%select_n3A_221], %get3A_79 masked %and3A_218 : memref<50000xf32, #tpu.memory_space<vmem>>[vector<16xi32>], vector<16xf32>, vector<16xi1>
      %sub3A_222 = arith.constant 0 : i32
      %sub3A_223 = vector.broadcast %sub3A_222 : i32 to vector<16xi32>
      %sub3A_224 = arith.subi %get3A_82, %sub3A_223 : vector<16xi32>
      %ge3A_225 = arith.constant 0 : i32
      %ge3A_226 = vector.broadcast %ge3A_225 : i32 to vector<16xi32>
      %ge3A_227 = arith.cmpi sge, %sub3A_224, %ge3A_226 : vector<16xi32>
      %lt3A_228 = arith.constant 50000 : i32
      %lt3A_229 = vector.broadcast %lt3A_228 : i32 to vector<16xi32>
      %lt3A_230 = arith.cmpi slt, %sub3A_224, %lt3A_229 : vector<16xi32>
      %and3A_231 = arith.andi %ge3A_227, %lt3A_230 : vector<16xi1>
      %jit3A_232 = arith.constant 0 : i32
      %broadcast_in_dim3A_233 = vector.broadcast %jit3A_232 : i32 to vector<16xi32>
      %select_n3A_234 = arith.select %and3A_231, %sub3A_224, %broadcast_in_dim3A_233 : vector<16xi1>, vector<16xi32>
      tpu.vector_store_idx %arg5[%select_n3A_234], %get3A_85 masked %and3A_231 : memref<50000xf32, #tpu.memory_space<vmem>>[vector<16xi32>], vector<16xf32>, vector<16xi1>
      %sub3A_235 = arith.constant 0 : i32
      %sub3A_236 = vector.broadcast %sub3A_235 : i32 to vector<16xi32>
      %sub3A_237 = arith.subi %get3A_88, %sub3A_236 : vector<16xi32>
      %ge3A_238 = arith.constant 0 : i32
      %ge3A_239 = vector.broadcast %ge3A_238 : i32 to vector<16xi32>
      %ge3A_240 = arith.cmpi sge, %sub3A_237, %ge3A_239 : vector<16xi32>
      %lt3A_241 = arith.constant 50000 : i32
      %lt3A_242 = vector.broadcast %lt3A_241 : i32 to vector<16xi32>
      %lt3A_243 = arith.cmpi slt, %sub3A_237, %lt3A_242 : vector<16xi32>
      %and3A_244 = arith.andi %ge3A_240, %lt3A_243 : vector<16xi1>
      %jit3A_245 = arith.constant 0 : i32
      %broadcast_in_dim3A_246 = vector.broadcast %jit3A_245 : i32 to vector<16xi32>
      %select_n3A_247 = arith.select %and3A_244, %sub3A_237, %broadcast_in_dim3A_246 : vector<16xi1>, vector<16xi32>
      tpu.vector_store_idx %arg5[%select_n3A_247], %get3A_91 masked %and3A_244 : memref<50000xf32, #tpu.memory_space<vmem>>[vector<16xi32>], vector<16xf32>, vector<16xi1>
      %sub3A_248 = arith.constant 0 : i32
      %sub3A_249 = vector.broadcast %sub3A_248 : i32 to vector<16xi32>
      %sub3A_250 = arith.subi %get3A_94, %sub3A_249 : vector<16xi32>
      %ge3A_251 = arith.constant 0 : i32
      %ge3A_252 = vector.broadcast %ge3A_251 : i32 to vector<16xi32>
      %ge3A_253 = arith.cmpi sge, %sub3A_250, %ge3A_252 : vector<16xi32>
      %lt3A_254 = arith.constant 50000 : i32
      %lt3A_255 = vector.broadcast %lt3A_254 : i32 to vector<16xi32>
      %lt3A_256 = arith.cmpi slt, %sub3A_250, %lt3A_255 : vector<16xi32>
      %and3A_257 = arith.andi %ge3A_253, %lt3A_256 : vector<16xi1>
      %jit3A_258 = arith.constant 0 : i32
      %broadcast_in_dim3A_259 = vector.broadcast %jit3A_258 : i32 to vector<16xi32>
      %select_n3A_260 = arith.select %and3A_257, %sub3A_250, %broadcast_in_dim3A_259 : vector<16xi1>, vector<16xi32>
      tpu.vector_store_idx %arg5[%select_n3A_260], %get3A_97 masked %and3A_257 : memref<50000xf32, #tpu.memory_space<vmem>>[vector<16xi32>], vector<16xf32>, vector<16xi1>
      %dma_start3A = arith.constant 0 : i32
      %dma_start3A_261 = tpu.memref_slice %arg4[%add3A_20, %dma_start3A] : memref<1024x100000xf32, #tpu.memory_space<hbm>> -> memref<1x50000xf32, #tpu.memory_space<hbm>>
      %dma_start3A_262 = tpu.memref_squeeze %dma_start3A_261 : memref<1x50000xf32, #tpu.memory_space<hbm>> -> memref<50000xf32, #tpu.memory_space<hbm>>
      %dma_start3A_263 = arith.constant 0 : i32
      %dma_start3A_264 = tpu.memref_slice %arg4[%add3A_20, %dma_start3A_263] : memref<1024x100000xf32, #tpu.memory_space<hbm>> -> memref<1x50000xf32, #tpu.memory_space<hbm>>
      %dma_start3A_265 = tpu.memref_squeeze %dma_start3A_264 : memref<1x50000xf32, #tpu.memory_space<hbm>> -> memref<50000xf32, #tpu.memory_space<hbm>>
      tpu.enqueue_dma source(%arg5 : memref<50000xf32, #tpu.memory_space<vmem>>) target(%dma_start3A_265 : memref<50000xf32, #tpu.memory_space<hbm>>) target_semaphore(%arg9 : memref<!tpu.dma_semaphore, #tpu.memory_space<semaphore_mem>>)
      %sub3A_266 = arith.constant 50000 : i32
      %sub3A_267 = vector.broadcast %sub3A_266 : i32 to vector<16xi32>
      %sub3A_268 = arith.subi %get3A_22, %sub3A_267 : vector<16xi32>
      %ge3A_269 = arith.constant 0 : i32
      %ge3A_270 = vector.broadcast %ge3A_269 : i32 to vector<16xi32>
      %ge3A_271 = arith.cmpi sge, %sub3A_268, %ge3A_270 : vector<16xi32>
      %lt3A_272 = arith.constant 50000 : i32
      %lt3A_273 = vector.broadcast %lt3A_272 : i32 to vector<16xi32>
      %lt3A_274 = arith.cmpi slt, %sub3A_268, %lt3A_273 : vector<16xi32>
      %and3A_275 = arith.andi %ge3A_271, %lt3A_274 : vector<16xi1>
      %jit3A_276 = arith.constant 0 : i32
      %broadcast_in_dim3A_277 = vector.broadcast %jit3A_276 : i32 to vector<16xi32>
      %select_n3A_278 = arith.select %and3A_275, %sub3A_268, %broadcast_in_dim3A_277 : vector<16xi1>, vector<16xi32>
      tpu.vector_store_idx %arg6[%select_n3A_278], %get3A_25 masked %and3A_275 : memref<50000xf32, #tpu.memory_space<vmem>>[vector<16xi32>], vector<16xf32>, vector<16xi1>
      %sub3A_279 = arith.constant 50000 : i32
      %sub3A_280 = vector.broadcast %sub3A_279 : i32 to vector<16xi32>
      %sub3A_281 = arith.subi %get3A_28, %sub3A_280 : vector<16xi32>
      %ge3A_282 = arith.constant 0 : i32
      %ge3A_283 = vector.broadcast %ge3A_282 : i32 to vector<16xi32>
      %ge3A_284 = arith.cmpi sge, %sub3A_281, %ge3A_283 : vector<16xi32>
      %lt3A_285 = arith.constant 50000 : i32
      %lt3A_286 = vector.broadcast %lt3A_285 : i32 to vector<16xi32>
      %lt3A_287 = arith.cmpi slt, %sub3A_281, %lt3A_286 : vector<16xi32>
      %and3A_288 = arith.andi %ge3A_284, %lt3A_287 : vector<16xi1>
      %jit3A_289 = arith.constant 0 : i32
      %broadcast_in_dim3A_290 = vector.broadcast %jit3A_289 : i32 to vector<16xi32>
      %select_n3A_291 = arith.select %and3A_288, %sub3A_281, %broadcast_in_dim3A_290 : vector<16xi1>, vector<16xi32>
      tpu.vector_store_idx %arg6[%select_n3A_291], %get3A_31 masked %and3A_288 : memref<50000xf32, #tpu.memory_space<vmem>>[vector<16xi32>], vector<16xf32>, vector<16xi1>
      %sub3A_292 = arith.constant 50000 : i32
      %sub3A_293 = vector.broadcast %sub3A_292 : i32 to vector<16xi32>
      %sub3A_294 = arith.subi %get3A_34, %sub3A_293 : vector<16xi32>
      %ge3A_295 = arith.constant 0 : i32
      %ge3A_296 = vector.broadcast %ge3A_295 : i32 to vector<16xi32>
      %ge3A_297 = arith.cmpi sge, %sub3A_294, %ge3A_296 : vector<16xi32>
      %lt3A_298 = arith.constant 50000 : i32
      %lt3A_299 = vector.broadcast %lt3A_298 : i32 to vector<16xi32>
      %lt3A_300 = arith.cmpi slt, %sub3A_294, %lt3A_299 : vector<16xi32>
      %and3A_301 = arith.andi %ge3A_297, %lt3A_300 : vector<16xi1>
      %jit3A_302 = arith.constant 0 : i32
      %broadcast_in_dim3A_303 = vector.broadcast %jit3A_302 : i32 to vector<16xi32>
      %select_n3A_304 = arith.select %and3A_301, %sub3A_294, %broadcast_in_dim3A_303 : vector<16xi1>, vector<16xi32>
      tpu.vector_store_idx %arg6[%select_n3A_304], %get3A_37 masked %and3A_301 : memref<50000xf32, #tpu.memory_space<vmem>>[vector<16xi32>], vector<16xf32>, vector<16xi1>
      %sub3A_305 = arith.constant 50000 : i32
      %sub3A_306 = vector.broadcast %sub3A_305 : i32 to vector<16xi32>
      %sub3A_307 = arith.subi %get3A_40, %sub3A_306 : vector<16xi32>
      %ge3A_308 = arith.constant 0 : i32
      %ge3A_309 = vector.broadcast %ge3A_308 : i32 to vector<16xi32>
      %ge3A_310 = arith.cmpi sge, %sub3A_307, %ge3A_309 : vector<16xi32>
      %lt3A_311 = arith.constant 50000 : i32
      %lt3A_312 = vector.broadcast %lt3A_311 : i32 to vector<16xi32>
      %lt3A_313 = arith.cmpi slt, %sub3A_307, %lt3A_312 : vector<16xi32>
      %and3A_314 = arith.andi %ge3A_310, %lt3A_313 : vector<16xi1>
      %jit3A_315 = arith.constant 0 : i32
      %broadcast_in_dim3A_316 = vector.broadcast %jit3A_315 : i32 to vector<16xi32>
      %select_n3A_317 = arith.select %and3A_314, %sub3A_307, %broadcast_in_dim3A_316 : vector<16xi1>, vector<16xi32>
      tpu.vector_store_idx %arg6[%select_n3A_317], %get3A_43 masked %and3A_314 : memref<50000xf32, #tpu.memory_space<vmem>>[vector<16xi32>], vector<16xf32>, vector<16xi1>
      %sub3A_318 = arith.constant 50000 : i32
      %sub3A_319 = vector.broadcast %sub3A_318 : i32 to vector<16xi32>
      %sub3A_320 = arith.subi %get3A_46, %sub3A_319 : vector<16xi32>
      %ge3A_321 = arith.constant 0 : i32
      %ge3A_322 = vector.broadcast %ge3A_321 : i32 to vector<16xi32>
      %ge3A_323 = arith.cmpi sge, %sub3A_320, %ge3A_322 : vector<16xi32>
      %lt3A_324 = arith.constant 50000 : i32
      %lt3A_325 = vector.broadcast %lt3A_324 : i32 to vector<16xi32>
      %lt3A_326 = arith.cmpi slt, %sub3A_320, %lt3A_325 : vector<16xi32>
      %and3A_327 = arith.andi %ge3A_323, %lt3A_326 : vector<16xi1>
      %jit3A_328 = arith.constant 0 : i32
      %broadcast_in_dim3A_329 = vector.broadcast %jit3A_328 : i32 to vector<16xi32>
      %select_n3A_330 = arith.select %and3A_327, %sub3A_320, %broadcast_in_dim3A_329 : vector<16xi1>, vector<16xi32>
      tpu.vector_store_idx %arg6[%select_n3A_330], %get3A_49 masked %and3A_327 : memref<50000xf32, #tpu.memory_space<vmem>>[vector<16xi32>], vector<16xf32>, vector<16xi1>
      %sub3A_331 = arith.constant 50000 : i32
      %sub3A_332 = vector.broadcast %sub3A_331 : i32 to vector<16xi32>
      %sub3A_333 = arith.subi %get3A_52, %sub3A_332 : vector<16xi32>
      %ge3A_334 = arith.constant 0 : i32
      %ge3A_335 = vector.broadcast %ge3A_334 : i32 to vector<16xi32>
      %ge3A_336 = arith.cmpi sge, %sub3A_333, %ge3A_335 : vector<16xi32>
      %lt3A_337 = arith.constant 50000 : i32
      %lt3A_338 = vector.broadcast %lt3A_337 : i32 to vector<16xi32>
      %lt3A_339 = arith.cmpi slt, %sub3A_333, %lt3A_338 : vector<16xi32>
      %and3A_340 = arith.andi %ge3A_336, %lt3A_339 : vector<16xi1>
      %jit3A_341 = arith.constant 0 : i32
      %broadcast_in_dim3A_342 = vector.broadcast %jit3A_341 : i32 to vector<16xi32>
      %select_n3A_343 = arith.select %and3A_340, %sub3A_333, %broadcast_in_dim3A_342 : vector<16xi1>, vector<16xi32>
      tpu.vector_store_idx %arg6[%select_n3A_343], %get3A_55 masked %and3A_340 : memref<50000xf32, #tpu.memory_space<vmem>>[vector<16xi32>], vector<16xf32>, vector<16xi1>
      %sub3A_344 = arith.constant 50000 : i32
      %sub3A_345 = vector.broadcast %sub3A_344 : i32 to vector<16xi32>
      %sub3A_346 = arith.subi %get3A_58, %sub3A_345 : vector<16xi32>
      %ge3A_347 = arith.constant 0 : i32
      %ge3A_348 = vector.broadcast %ge3A_347 : i32 to vector<16xi32>
      %ge3A_349 = arith.cmpi sge, %sub3A_346, %ge3A_348 : vector<16xi32>
      %lt3A_350 = arith.constant 50000 : i32
      %lt3A_351 = vector.broadcast %lt3A_350 : i32 to vector<16xi32>
      %lt3A_352 = arith.cmpi slt, %sub3A_346, %lt3A_351 : vector<16xi32>
      %and3A_353 = arith.andi %ge3A_349, %lt3A_352 : vector<16xi1>
      %jit3A_354 = arith.constant 0 : i32
      %broadcast_in_dim3A_355 = vector.broadcast %jit3A_354 : i32 to vector<16xi32>
      %select_n3A_356 = arith.select %and3A_353, %sub3A_346, %broadcast_in_dim3A_355 : vector<16xi1>, vector<16xi32>
      tpu.vector_store_idx %arg6[%select_n3A_356], %get3A_61 masked %and3A_353 : memref<50000xf32, #tpu.memory_space<vmem>>[vector<16xi32>], vector<16xf32>, vector<16xi1>
      %sub3A_357 = arith.constant 50000 : i32
      %sub3A_358 = vector.broadcast %sub3A_357 : i32 to vector<16xi32>
      %sub3A_359 = arith.subi %get3A_64, %sub3A_358 : vector<16xi32>
      %ge3A_360 = arith.constant 0 : i32
      %ge3A_361 = vector.broadcast %ge3A_360 : i32 to vector<16xi32>
      %ge3A_362 = arith.cmpi sge, %sub3A_359, %ge3A_361 : vector<16xi32>
      %lt3A_363 = arith.constant 50000 : i32
      %lt3A_364 = vector.broadcast %lt3A_363 : i32 to vector<16xi32>
      %lt3A_365 = arith.cmpi slt, %sub3A_359, %lt3A_364 : vector<16xi32>
      %and3A_366 = arith.andi %ge3A_362, %lt3A_365 : vector<16xi1>
      %jit3A_367 = arith.constant 0 : i32
      %broadcast_in_dim3A_368 = vector.broadcast %jit3A_367 : i32 to vector<16xi32>
      %select_n3A_369 = arith.select %and3A_366, %sub3A_359, %broadcast_in_dim3A_368 : vector<16xi1>, vector<16xi32>
      tpu.vector_store_idx %arg6[%select_n3A_369], %get3A_67 masked %and3A_366 : memref<50000xf32, #tpu.memory_space<vmem>>[vector<16xi32>], vector<16xf32>, vector<16xi1>
      %sub3A_370 = arith.constant 50000 : i32
      %sub3A_371 = vector.broadcast %sub3A_370 : i32 to vector<16xi32>
      %sub3A_372 = arith.subi %get3A_70, %sub3A_371 : vector<16xi32>
      %ge3A_373 = arith.constant 0 : i32
      %ge3A_374 = vector.broadcast %ge3A_373 : i32 to vector<16xi32>
      %ge3A_375 = arith.cmpi sge, %sub3A_372, %ge3A_374 : vector<16xi32>
      %lt3A_376 = arith.constant 50000 : i32
      %lt3A_377 = vector.broadcast %lt3A_376 : i32 to vector<16xi32>
      %lt3A_378 = arith.cmpi slt, %sub3A_372, %lt3A_377 : vector<16xi32>
      %and3A_379 = arith.andi %ge3A_375, %lt3A_378 : vector<16xi1>
      %jit3A_380 = arith.constant 0 : i32
      %broadcast_in_dim3A_381 = vector.broadcast %jit3A_380 : i32 to vector<16xi32>
      %select_n3A_382 = arith.select %and3A_379, %sub3A_372, %broadcast_in_dim3A_381 : vector<16xi1>, vector<16xi32>
      tpu.vector_store_idx %arg6[%select_n3A_382], %get3A_73 masked %and3A_379 : memref<50000xf32, #tpu.memory_space<vmem>>[vector<16xi32>], vector<16xf32>, vector<16xi1>
      %sub3A_383 = arith.constant 50000 : i32
      %sub3A_384 = vector.broadcast %sub3A_383 : i32 to vector<16xi32>
      %sub3A_385 = arith.subi %get3A_76, %sub3A_384 : vector<16xi32>
      %ge3A_386 = arith.constant 0 : i32
      %ge3A_387 = vector.broadcast %ge3A_386 : i32 to vector<16xi32>
      %ge3A_388 = arith.cmpi sge, %sub3A_385, %ge3A_387 : vector<16xi32>
      %lt3A_389 = arith.constant 50000 : i32
      %lt3A_390 = vector.broadcast %lt3A_389 : i32 to vector<16xi32>
      %lt3A_391 = arith.cmpi slt, %sub3A_385, %lt3A_390 : vector<16xi32>
      %and3A_392 = arith.andi %ge3A_388, %lt3A_391 : vector<16xi1>
      %jit3A_393 = arith.constant 0 : i32
      %broadcast_in_dim3A_394 = vector.broadcast %jit3A_393 : i32 to vector<16xi32>
      %select_n3A_395 = arith.select %and3A_392, %sub3A_385, %broadcast_in_dim3A_394 : vector<16xi1>, vector<16xi32>
      tpu.vector_store_idx %arg6[%select_n3A_395], %get3A_79 masked %and3A_392 : memref<50000xf32, #tpu.memory_space<vmem>>[vector<16xi32>], vector<16xf32>, vector<16xi1>
      %sub3A_396 = arith.constant 50000 : i32
      %sub3A_397 = vector.broadcast %sub3A_396 : i32 to vector<16xi32>
      %sub3A_398 = arith.subi %get3A_82, %sub3A_397 : vector<16xi32>
      %ge3A_399 = arith.constant 0 : i32
      %ge3A_400 = vector.broadcast %ge3A_399 : i32 to vector<16xi32>
      %ge3A_401 = arith.cmpi sge, %sub3A_398, %ge3A_400 : vector<16xi32>
      %lt3A_402 = arith.constant 50000 : i32
      %lt3A_403 = vector.broadcast %lt3A_402 : i32 to vector<16xi32>
      %lt3A_404 = arith.cmpi slt, %sub3A_398, %lt3A_403 : vector<16xi32>
      %and3A_405 = arith.andi %ge3A_401, %lt3A_404 : vector<16xi1>
      %jit3A_406 = arith.constant 0 : i32
      %broadcast_in_dim3A_407 = vector.broadcast %jit3A_406 : i32 to vector<16xi32>
      %select_n3A_408 = arith.select %and3A_405, %sub3A_398, %broadcast_in_dim3A_407 : vector<16xi1>, vector<16xi32>
      tpu.vector_store_idx %arg6[%select_n3A_408], %get3A_85 masked %and3A_405 : memref<50000xf32, #tpu.memory_space<vmem>>[vector<16xi32>], vector<16xf32>, vector<16xi1>
      %sub3A_409 = arith.constant 50000 : i32
      %sub3A_410 = vector.broadcast %sub3A_409 : i32 to vector<16xi32>
      %sub3A_411 = arith.subi %get3A_88, %sub3A_410 : vector<16xi32>
      %ge3A_412 = arith.constant 0 : i32
      %ge3A_413 = vector.broadcast %ge3A_412 : i32 to vector<16xi32>
      %ge3A_414 = arith.cmpi sge, %sub3A_411, %ge3A_413 : vector<16xi32>
      %lt3A_415 = arith.constant 50000 : i32
      %lt3A_416 = vector.broadcast %lt3A_415 : i32 to vector<16xi32>
      %lt3A_417 = arith.cmpi slt, %sub3A_411, %lt3A_416 : vector<16xi32>
      %and3A_418 = arith.andi %ge3A_414, %lt3A_417 : vector<16xi1>
      %jit3A_419 = arith.constant 0 : i32
      %broadcast_in_dim3A_420 = vector.broadcast %jit3A_419 : i32 to vector<16xi32>
      %select_n3A_421 = arith.select %and3A_418, %sub3A_411, %broadcast_in_dim3A_420 : vector<16xi1>, vector<16xi32>
      tpu.vector_store_idx %arg6[%select_n3A_421], %get3A_91 masked %and3A_418 : memref<50000xf32, #tpu.memory_space<vmem>>[vector<16xi32>], vector<16xf32>, vector<16xi1>
      %sub3A_422 = arith.constant 50000 : i32
      %sub3A_423 = vector.broadcast %sub3A_422 : i32 to vector<16xi32>
      %sub3A_424 = arith.subi %get3A_94, %sub3A_423 : vector<16xi32>
      %ge3A_425 = arith.constant 0 : i32
      %ge3A_426 = vector.broadcast %ge3A_425 : i32 to vector<16xi32>
      %ge3A_427 = arith.cmpi sge, %sub3A_424, %ge3A_426 : vector<16xi32>
      %lt3A_428 = arith.constant 50000 : i32
      %lt3A_429 = vector.broadcast %lt3A_428 : i32 to vector<16xi32>
      %lt3A_430 = arith.cmpi slt, %sub3A_424, %lt3A_429 : vector<16xi32>
      %and3A_431 = arith.andi %ge3A_427, %lt3A_430 : vector<16xi1>
      %jit3A_432 = arith.constant 0 : i32
      %broadcast_in_dim3A_433 = vector.broadcast %jit3A_432 : i32 to vector<16xi32>
      %select_n3A_434 = arith.select %and3A_431, %sub3A_424, %broadcast_in_dim3A_433 : vector<16xi1>, vector<16xi32>
      tpu.vector_store_idx %arg6[%select_n3A_434], %get3A_97 masked %and3A_431 : memref<50000xf32, #tpu.memory_space<vmem>>[vector<16xi32>], vector<16xf32>, vector<16xi1>
      %dma_start3A_435 = arith.constant 50000 : i32
      %dma_start3A_436 = tpu.memref_slice %arg4[%add3A_20, %dma_start3A_435] : memref<1024x100000xf32, #tpu.memory_space<hbm>> -> memref<1x50000xf32, #tpu.memory_space<hbm>>
      %dma_start3A_437 = tpu.memref_squeeze %dma_start3A_436 : memref<1x50000xf32, #tpu.memory_space<hbm>> -> memref<50000xf32, #tpu.memory_space<hbm>>
      %dma_start3A_438 = arith.constant 50000 : i32
      %dma_start3A_439 = tpu.memref_slice %arg4[%add3A_20, %dma_start3A_438] : memref<1024x100000xf32, #tpu.memory_space<hbm>> -> memref<1x50000xf32, #tpu.memory_space<hbm>>
      %dma_start3A_440 = tpu.memref_squeeze %dma_start3A_439 : memref<1x50000xf32, #tpu.memory_space<hbm>> -> memref<50000xf32, #tpu.memory_space<hbm>>
      tpu.enqueue_dma source(%arg6 : memref<50000xf32, #tpu.memory_space<vmem>>) target(%dma_start3A_440 : memref<50000xf32, #tpu.memory_space<hbm>>) target_semaphore(%arg10 : memref<!tpu.dma_semaphore, #tpu.memory_space<semaphore_mem>>)
      %dma_wait3A = arith.constant 0 : i32
      %dma_wait3A_441 = tpu.memref_slice %arg4[%add3A_20, %dma_wait3A] : memref<1024x100000xf32, #tpu.memory_space<hbm>> -> memref<1x50000xf32, #tpu.memory_space<hbm>>
      %dma_wait3A_442 = tpu.memref_squeeze %dma_wait3A_441 : memref<1x50000xf32, #tpu.memory_space<hbm>> -> memref<50000xf32, #tpu.memory_space<hbm>>
      %dma_wait3A_443 = arith.constant 0 : i32
      %dma_wait3A_444 = tpu.memref_slice %arg4[%add3A_20, %dma_wait3A_443] : memref<1024x100000xf32, #tpu.memory_space<hbm>> -> memref<1x50000xf32, #tpu.memory_space<hbm>>
      %dma_wait3A_445 = tpu.memref_squeeze %dma_wait3A_444 : memref<1x50000xf32, #tpu.memory_space<hbm>> -> memref<50000xf32, #tpu.memory_space<hbm>>
      tpu.wait_dma2 semaphore(%arg9 : memref<!tpu.dma_semaphore, #tpu.memory_space<semaphore_mem>>) src(%arg5 : memref<50000xf32, #tpu.memory_space<vmem>>) dst(%dma_wait3A_445 : memref<50000xf32, #tpu.memory_space<hbm>>)
      %sub3A_446 = arith.constant 0 : i32
      %sub3A_447 = vector.broadcast %sub3A_446 : i32 to vector<16xi32>
      %sub3A_448 = arith.subi %get3A_22, %sub3A_447 : vector<16xi32>
      %ge3A_449 = arith.constant 0 : i32
      %ge3A_450 = vector.broadcast %ge3A_449 : i32 to vector<16xi32>
      %ge3A_451 = arith.cmpi sge, %sub3A_448, %ge3A_450 : vector<16xi32>
      %lt3A_452 = arith.constant 50000 : i32
      %lt3A_453 = vector.broadcast %lt3A_452 : i32 to vector<16xi32>
      %lt3A_454 = arith.cmpi slt, %sub3A_448, %lt3A_453 : vector<16xi32>
      %and3A_455 = arith.andi %ge3A_451, %lt3A_454 : vector<16xi1>
      %jit3A_456 = arith.constant 0 : i32
      %broadcast_in_dim3A_457 = vector.broadcast %jit3A_456 : i32 to vector<16xi32>
      %select_n3A_458 = arith.select %and3A_455, %sub3A_448, %broadcast_in_dim3A_457 : vector<16xi1>, vector<16xi32>
      tpu.vector_store_idx %arg5[%select_n3A_458], %broadcast_in_dim3A_1 masked %and3A_455 : memref<50000xf32, #tpu.memory_space<vmem>>[vector<16xi32>], vector<16xf32>, vector<16xi1>
      %sub3A_459 = arith.constant 0 : i32
      %sub3A_460 = vector.broadcast %sub3A_459 : i32 to vector<16xi32>
      %sub3A_461 = arith.subi %get3A_28, %sub3A_460 : vector<16xi32>
      %ge3A_462 = arith.constant 0 : i32
      %ge3A_463 = vector.broadcast %ge3A_462 : i32 to vector<16xi32>
      %ge3A_464 = arith.cmpi sge, %sub3A_461, %ge3A_463 : vector<16xi32>
      %lt3A_465 = arith.constant 50000 : i32
      %lt3A_466 = vector.broadcast %lt3A_465 : i32 to vector<16xi32>
      %lt3A_467 = arith.cmpi slt, %sub3A_461, %lt3A_466 : vector<16xi32>
      %and3A_468 = arith.andi %ge3A_464, %lt3A_467 : vector<16xi1>
      %jit3A_469 = arith.constant 0 : i32
      %broadcast_in_dim3A_470 = vector.broadcast %jit3A_469 : i32 to vector<16xi32>
      %select_n3A_471 = arith.select %and3A_468, %sub3A_461, %broadcast_in_dim3A_470 : vector<16xi1>, vector<16xi32>
      tpu.vector_store_idx %arg5[%select_n3A_471], %broadcast_in_dim3A_1 masked %and3A_468 : memref<50000xf32, #tpu.memory_space<vmem>>[vector<16xi32>], vector<16xf32>, vector<16xi1>
      %sub3A_472 = arith.constant 0 : i32
      %sub3A_473 = vector.broadcast %sub3A_472 : i32 to vector<16xi32>
      %sub3A_474 = arith.subi %get3A_34, %sub3A_473 : vector<16xi32>
      %ge3A_475 = arith.constant 0 : i32
      %ge3A_476 = vector.broadcast %ge3A_475 : i32 to vector<16xi32>
      %ge3A_477 = arith.cmpi sge, %sub3A_474, %ge3A_476 : vector<16xi32>
      %lt3A_478 = arith.constant 50000 : i32
      %lt3A_479 = vector.broadcast %lt3A_478 : i32 to vector<16xi32>
      %lt3A_480 = arith.cmpi slt, %sub3A_474, %lt3A_479 : vector<16xi32>
      %and3A_481 = arith.andi %ge3A_477, %lt3A_480 : vector<16xi1>
      %jit3A_482 = arith.constant 0 : i32
      %broadcast_in_dim3A_483 = vector.broadcast %jit3A_482 : i32 to vector<16xi32>
      %select_n3A_484 = arith.select %and3A_481, %sub3A_474, %broadcast_in_dim3A_483 : vector<16xi1>, vector<16xi32>
      tpu.vector_store_idx %arg5[%select_n3A_484], %broadcast_in_dim3A_1 masked %and3A_481 : memref<50000xf32, #tpu.memory_space<vmem>>[vector<16xi32>], vector<16xf32>, vector<16xi1>
      %sub3A_485 = arith.constant 0 : i32
      %sub3A_486 = vector.broadcast %sub3A_485 : i32 to vector<16xi32>
      %sub3A_487 = arith.subi %get3A_40, %sub3A_486 : vector<16xi32>
      %ge3A_488 = arith.constant 0 : i32
      %ge3A_489 = vector.broadcast %ge3A_488 : i32 to vector<16xi32>
      %ge3A_490 = arith.cmpi sge, %sub3A_487, %ge3A_489 : vector<16xi32>
      %lt3A_491 = arith.constant 50000 : i32
      %lt3A_492 = vector.broadcast %lt3A_491 : i32 to vector<16xi32>
      %lt3A_493 = arith.cmpi slt, %sub3A_487, %lt3A_492 : vector<16xi32>
      %and3A_494 = arith.andi %ge3A_490, %lt3A_493 : vector<16xi1>
      %jit3A_495 = arith.constant 0 : i32
      %broadcast_in_dim3A_496 = vector.broadcast %jit3A_495 : i32 to vector<16xi32>
      %select_n3A_497 = arith.select %and3A_494, %sub3A_487, %broadcast_in_dim3A_496 : vector<16xi1>, vector<16xi32>
      tpu.vector_store_idx %arg5[%select_n3A_497], %broadcast_in_dim3A_1 masked %and3A_494 : memref<50000xf32, #tpu.memory_space<vmem>>[vector<16xi32>], vector<16xf32>, vector<16xi1>
      %sub3A_498 = arith.constant 0 : i32
      %sub3A_499 = vector.broadcast %sub3A_498 : i32 to vector<16xi32>
      %sub3A_500 = arith.subi %get3A_46, %sub3A_499 : vector<16xi32>
      %ge3A_501 = arith.constant 0 : i32
      %ge3A_502 = vector.broadcast %ge3A_501 : i32 to vector<16xi32>
      %ge3A_503 = arith.cmpi sge, %sub3A_500, %ge3A_502 : vector<16xi32>
      %lt3A_504 = arith.constant 50000 : i32
      %lt3A_505 = vector.broadcast %lt3A_504 : i32 to vector<16xi32>
      %lt3A_506 = arith.cmpi slt, %sub3A_500, %lt3A_505 : vector<16xi32>
      %and3A_507 = arith.andi %ge3A_503, %lt3A_506 : vector<16xi1>
      %jit3A_508 = arith.constant 0 : i32
      %broadcast_in_dim3A_509 = vector.broadcast %jit3A_508 : i32 to vector<16xi32>
      %select_n3A_510 = arith.select %and3A_507, %sub3A_500, %broadcast_in_dim3A_509 : vector<16xi1>, vector<16xi32>
      tpu.vector_store_idx %arg5[%select_n3A_510], %broadcast_in_dim3A_1 masked %and3A_507 : memref<50000xf32, #tpu.memory_space<vmem>>[vector<16xi32>], vector<16xf32>, vector<16xi1>
      %sub3A_511 = arith.constant 0 : i32
      %sub3A_512 = vector.broadcast %sub3A_511 : i32 to vector<16xi32>
      %sub3A_513 = arith.subi %get3A_52, %sub3A_512 : vector<16xi32>
      %ge3A_514 = arith.constant 0 : i32
      %ge3A_515 = vector.broadcast %ge3A_514 : i32 to vector<16xi32>
      %ge3A_516 = arith.cmpi sge, %sub3A_513, %ge3A_515 : vector<16xi32>
      %lt3A_517 = arith.constant 50000 : i32
      %lt3A_518 = vector.broadcast %lt3A_517 : i32 to vector<16xi32>
      %lt3A_519 = arith.cmpi slt, %sub3A_513, %lt3A_518 : vector<16xi32>
      %and3A_520 = arith.andi %ge3A_516, %lt3A_519 : vector<16xi1>
      %jit3A_521 = arith.constant 0 : i32
      %broadcast_in_dim3A_522 = vector.broadcast %jit3A_521 : i32 to vector<16xi32>
      %select_n3A_523 = arith.select %and3A_520, %sub3A_513, %broadcast_in_dim3A_522 : vector<16xi1>, vector<16xi32>
      tpu.vector_store_idx %arg5[%select_n3A_523], %broadcast_in_dim3A_1 masked %and3A_520 : memref<50000xf32, #tpu.memory_space<vmem>>[vector<16xi32>], vector<16xf32>, vector<16xi1>
      %sub3A_524 = arith.constant 0 : i32
      %sub3A_525 = vector.broadcast %sub3A_524 : i32 to vector<16xi32>
      %sub3A_526 = arith.subi %get3A_58, %sub3A_525 : vector<16xi32>
      %ge3A_527 = arith.constant 0 : i32
      %ge3A_528 = vector.broadcast %ge3A_527 : i32 to vector<16xi32>
      %ge3A_529 = arith.cmpi sge, %sub3A_526, %ge3A_528 : vector<16xi32>
      %lt3A_530 = arith.constant 50000 : i32
      %lt3A_531 = vector.broadcast %lt3A_530 : i32 to vector<16xi32>
      %lt3A_532 = arith.cmpi slt, %sub3A_526, %lt3A_531 : vector<16xi32>
      %and3A_533 = arith.andi %ge3A_529, %lt3A_532 : vector<16xi1>
      %jit3A_534 = arith.constant 0 : i32
      %broadcast_in_dim3A_535 = vector.broadcast %jit3A_534 : i32 to vector<16xi32>
      %select_n3A_536 = arith.select %and3A_533, %sub3A_526, %broadcast_in_dim3A_535 : vector<16xi1>, vector<16xi32>
      tpu.vector_store_idx %arg5[%select_n3A_536], %broadcast_in_dim3A_1 masked %and3A_533 : memref<50000xf32, #tpu.memory_space<vmem>>[vector<16xi32>], vector<16xf32>, vector<16xi1>
      %sub3A_537 = arith.constant 0 : i32
      %sub3A_538 = vector.broadcast %sub3A_537 : i32 to vector<16xi32>
      %sub3A_539 = arith.subi %get3A_64, %sub3A_538 : vector<16xi32>
      %ge3A_540 = arith.constant 0 : i32
      %ge3A_541 = vector.broadcast %ge3A_540 : i32 to vector<16xi32>
      %ge3A_542 = arith.cmpi sge, %sub3A_539, %ge3A_541 : vector<16xi32>
      %lt3A_543 = arith.constant 50000 : i32
      %lt3A_544 = vector.broadcast %lt3A_543 : i32 to vector<16xi32>
      %lt3A_545 = arith.cmpi slt, %sub3A_539, %lt3A_544 : vector<16xi32>
      %and3A_546 = arith.andi %ge3A_542, %lt3A_545 : vector<16xi1>
      %jit3A_547 = arith.constant 0 : i32
      %broadcast_in_dim3A_548 = vector.broadcast %jit3A_547 : i32 to vector<16xi32>
      %select_n3A_549 = arith.select %and3A_546, %sub3A_539, %broadcast_in_dim3A_548 : vector<16xi1>, vector<16xi32>
      tpu.vector_store_idx %arg5[%select_n3A_549], %broadcast_in_dim3A_1 masked %and3A_546 : memref<50000xf32, #tpu.memory_space<vmem>>[vector<16xi32>], vector<16xf32>, vector<16xi1>
      %sub3A_550 = arith.constant 0 : i32
      %sub3A_551 = vector.broadcast %sub3A_550 : i32 to vector<16xi32>
      %sub3A_552 = arith.subi %get3A_70, %sub3A_551 : vector<16xi32>
      %ge3A_553 = arith.constant 0 : i32
      %ge3A_554 = vector.broadcast %ge3A_553 : i32 to vector<16xi32>
      %ge3A_555 = arith.cmpi sge, %sub3A_552, %ge3A_554 : vector<16xi32>
      %lt3A_556 = arith.constant 50000 : i32
      %lt3A_557 = vector.broadcast %lt3A_556 : i32 to vector<16xi32>
      %lt3A_558 = arith.cmpi slt, %sub3A_552, %lt3A_557 : vector<16xi32>
      %and3A_559 = arith.andi %ge3A_555, %lt3A_558 : vector<16xi1>
      %jit3A_560 = arith.constant 0 : i32
      %broadcast_in_dim3A_561 = vector.broadcast %jit3A_560 : i32 to vector<16xi32>
      %select_n3A_562 = arith.select %and3A_559, %sub3A_552, %broadcast_in_dim3A_561 : vector<16xi1>, vector<16xi32>
      tpu.vector_store_idx %arg5[%select_n3A_562], %broadcast_in_dim3A_1 masked %and3A_559 : memref<50000xf32, #tpu.memory_space<vmem>>[vector<16xi32>], vector<16xf32>, vector<16xi1>
      %sub3A_563 = arith.constant 0 : i32
      %sub3A_564 = vector.broadcast %sub3A_563 : i32 to vector<16xi32>
      %sub3A_565 = arith.subi %get3A_76, %sub3A_564 : vector<16xi32>
      %ge3A_566 = arith.constant 0 : i32
      %ge3A_567 = vector.broadcast %ge3A_566 : i32 to vector<16xi32>
      %ge3A_568 = arith.cmpi sge, %sub3A_565, %ge3A_567 : vector<16xi32>
      %lt3A_569 = arith.constant 50000 : i32
      %lt3A_570 = vector.broadcast %lt3A_569 : i32 to vector<16xi32>
      %lt3A_571 = arith.cmpi slt, %sub3A_565, %lt3A_570 : vector<16xi32>
      %and3A_572 = arith.andi %ge3A_568, %lt3A_571 : vector<16xi1>
      %jit3A_573 = arith.constant 0 : i32
      %broadcast_in_dim3A_574 = vector.broadcast %jit3A_573 : i32 to vector<16xi32>
      %select_n3A_575 = arith.select %and3A_572, %sub3A_565, %broadcast_in_dim3A_574 : vector<16xi1>, vector<16xi32>
      tpu.vector_store_idx %arg5[%select_n3A_575], %broadcast_in_dim3A_1 masked %and3A_572 : memref<50000xf32, #tpu.memory_space<vmem>>[vector<16xi32>], vector<16xf32>, vector<16xi1>
      %sub3A_576 = arith.constant 0 : i32
      %sub3A_577 = vector.broadcast %sub3A_576 : i32 to vector<16xi32>
      %sub3A_578 = arith.subi %get3A_82, %sub3A_577 : vector<16xi32>
      %ge3A_579 = arith.constant 0 : i32
      %ge3A_580 = vector.broadcast %ge3A_579 : i32 to vector<16xi32>
      %ge3A_581 = arith.cmpi sge, %sub3A_578, %ge3A_580 : vector<16xi32>
      %lt3A_582 = arith.constant 50000 : i32
      %lt3A_583 = vector.broadcast %lt3A_582 : i32 to vector<16xi32>
      %lt3A_584 = arith.cmpi slt, %sub3A_578, %lt3A_583 : vector<16xi32>
      %and3A_585 = arith.andi %ge3A_581, %lt3A_584 : vector<16xi1>
      %jit3A_586 = arith.constant 0 : i32
      %broadcast_in_dim3A_587 = vector.broadcast %jit3A_586 : i32 to vector<16xi32>
      %select_n3A_588 = arith.select %and3A_585, %sub3A_578, %broadcast_in_dim3A_587 : vector<16xi1>, vector<16xi32>
      tpu.vector_store_idx %arg5[%select_n3A_588], %broadcast_in_dim3A_1 masked %and3A_585 : memref<50000xf32, #tpu.memory_space<vmem>>[vector<16xi32>], vector<16xf32>, vector<16xi1>
      %sub3A_589 = arith.constant 0 : i32
      %sub3A_590 = vector.broadcast %sub3A_589 : i32 to vector<16xi32>
      %sub3A_591 = arith.subi %get3A_88, %sub3A_590 : vector<16xi32>
      %ge3A_592 = arith.constant 0 : i32
      %ge3A_593 = vector.broadcast %ge3A_592 : i32 to vector<16xi32>
      %ge3A_594 = arith.cmpi sge, %sub3A_591, %ge3A_593 : vector<16xi32>
      %lt3A_595 = arith.constant 50000 : i32
      %lt3A_596 = vector.broadcast %lt3A_595 : i32 to vector<16xi32>
      %lt3A_597 = arith.cmpi slt, %sub3A_591, %lt3A_596 : vector<16xi32>
      %and3A_598 = arith.andi %ge3A_594, %lt3A_597 : vector<16xi1>
      %jit3A_599 = arith.constant 0 : i32
      %broadcast_in_dim3A_600 = vector.broadcast %jit3A_599 : i32 to vector<16xi32>
      %select_n3A_601 = arith.select %and3A_598, %sub3A_591, %broadcast_in_dim3A_600 : vector<16xi1>, vector<16xi32>
      tpu.vector_store_idx %arg5[%select_n3A_601], %broadcast_in_dim3A_1 masked %and3A_598 : memref<50000xf32, #tpu.memory_space<vmem>>[vector<16xi32>], vector<16xf32>, vector<16xi1>
      %sub3A_602 = arith.constant 0 : i32
      %sub3A_603 = vector.broadcast %sub3A_602 : i32 to vector<16xi32>
      %sub3A_604 = arith.subi %get3A_94, %sub3A_603 : vector<16xi32>
      %ge3A_605 = arith.constant 0 : i32
      %ge3A_606 = vector.broadcast %ge3A_605 : i32 to vector<16xi32>
      %ge3A_607 = arith.cmpi sge, %sub3A_604, %ge3A_606 : vector<16xi32>
      %lt3A_608 = arith.constant 50000 : i32
      %lt3A_609 = vector.broadcast %lt3A_608 : i32 to vector<16xi32>
      %lt3A_610 = arith.cmpi slt, %sub3A_604, %lt3A_609 : vector<16xi32>
      %and3A_611 = arith.andi %ge3A_607, %lt3A_610 : vector<16xi1>
      %jit3A_612 = arith.constant 0 : i32
      %broadcast_in_dim3A_613 = vector.broadcast %jit3A_612 : i32 to vector<16xi32>
      %select_n3A_614 = arith.select %and3A_611, %sub3A_604, %broadcast_in_dim3A_613 : vector<16xi1>, vector<16xi32>
      tpu.vector_store_idx %arg5[%select_n3A_614], %broadcast_in_dim3A_1 masked %and3A_611 : memref<50000xf32, #tpu.memory_space<vmem>>[vector<16xi32>], vector<16xf32>, vector<16xi1>
      %dma_wait3A_615 = arith.constant 50000 : i32
      %dma_wait3A_616 = tpu.memref_slice %arg4[%add3A_20, %dma_wait3A_615] : memref<1024x100000xf32, #tpu.memory_space<hbm>> -> memref<1x50000xf32, #tpu.memory_space<hbm>>
      %dma_wait3A_617 = tpu.memref_squeeze %dma_wait3A_616 : memref<1x50000xf32, #tpu.memory_space<hbm>> -> memref<50000xf32, #tpu.memory_space<hbm>>
      %dma_wait3A_618 = arith.constant 50000 : i32
      %dma_wait3A_619 = tpu.memref_slice %arg4[%add3A_20, %dma_wait3A_618] : memref<1024x100000xf32, #tpu.memory_space<hbm>> -> memref<1x50000xf32, #tpu.memory_space<hbm>>
      %dma_wait3A_620 = tpu.memref_squeeze %dma_wait3A_619 : memref<1x50000xf32, #tpu.memory_space<hbm>> -> memref<50000xf32, #tpu.memory_space<hbm>>
      tpu.wait_dma2 semaphore(%arg10 : memref<!tpu.dma_semaphore, #tpu.memory_space<semaphore_mem>>) src(%arg6 : memref<50000xf32, #tpu.memory_space<vmem>>) dst(%dma_wait3A_620 : memref<50000xf32, #tpu.memory_space<hbm>>)
      %sub3A_621 = arith.constant 50000 : i32
      %sub3A_622 = vector.broadcast %sub3A_621 : i32 to vector<16xi32>
      %sub3A_623 = arith.subi %get3A_22, %sub3A_622 : vector<16xi32>
      %ge3A_624 = arith.constant 0 : i32
      %ge3A_625 = vector.broadcast %ge3A_624 : i32 to vector<16xi32>
      %ge3A_626 = arith.cmpi sge, %sub3A_623, %ge3A_625 : vector<16xi32>
      %lt3A_627 = arith.constant 50000 : i32
      %lt3A_628 = vector.broadcast %lt3A_627 : i32 to vector<16xi32>
      %lt3A_629 = arith.cmpi slt, %sub3A_623, %lt3A_628 : vector<16xi32>
      %and3A_630 = arith.andi %ge3A_626, %lt3A_629 : vector<16xi1>
      %jit3A_631 = arith.constant 0 : i32
      %broadcast_in_dim3A_632 = vector.broadcast %jit3A_631 : i32 to vector<16xi32>
      %select_n3A_633 = arith.select %and3A_630, %sub3A_623, %broadcast_in_dim3A_632 : vector<16xi1>, vector<16xi32>
      tpu.vector_store_idx %arg6[%select_n3A_633], %broadcast_in_dim3A_1 masked %and3A_630 : memref<50000xf32, #tpu.memory_space<vmem>>[vector<16xi32>], vector<16xf32>, vector<16xi1>
      %sub3A_634 = arith.constant 50000 : i32
      %sub3A_635 = vector.broadcast %sub3A_634 : i32 to vector<16xi32>
      %sub3A_636 = arith.subi %get3A_28, %sub3A_635 : vector<16xi32>
      %ge3A_637 = arith.constant 0 : i32
      %ge3A_638 = vector.broadcast %ge3A_637 : i32 to vector<16xi32>
      %ge3A_639 = arith.cmpi sge, %sub3A_636, %ge3A_638 : vector<16xi32>
      %lt3A_640 = arith.constant 50000 : i32
      %lt3A_641 = vector.broadcast %lt3A_640 : i32 to vector<16xi32>
      %lt3A_642 = arith.cmpi slt, %sub3A_636, %lt3A_641 : vector<16xi32>
      %and3A_643 = arith.andi %ge3A_639, %lt3A_642 : vector<16xi1>
      %jit3A_644 = arith.constant 0 : i32
      %broadcast_in_dim3A_645 = vector.broadcast %jit3A_644 : i32 to vector<16xi32>
      %select_n3A_646 = arith.select %and3A_643, %sub3A_636, %broadcast_in_dim3A_645 : vector<16xi1>, vector<16xi32>
      tpu.vector_store_idx %arg6[%select_n3A_646], %broadcast_in_dim3A_1 masked %and3A_643 : memref<50000xf32, #tpu.memory_space<vmem>>[vector<16xi32>], vector<16xf32>, vector<16xi1>
      %sub3A_647 = arith.constant 50000 : i32
      %sub3A_648 = vector.broadcast %sub3A_647 : i32 to vector<16xi32>
      %sub3A_649 = arith.subi %get3A_34, %sub3A_648 : vector<16xi32>
      %ge3A_650 = arith.constant 0 : i32
      %ge3A_651 = vector.broadcast %ge3A_650 : i32 to vector<16xi32>
      %ge3A_652 = arith.cmpi sge, %sub3A_649, %ge3A_651 : vector<16xi32>
      %lt3A_653 = arith.constant 50000 : i32
      %lt3A_654 = vector.broadcast %lt3A_653 : i32 to vector<16xi32>
      %lt3A_655 = arith.cmpi slt, %sub3A_649, %lt3A_654 : vector<16xi32>
      %and3A_656 = arith.andi %ge3A_652, %lt3A_655 : vector<16xi1>
      %jit3A_657 = arith.constant 0 : i32
      %broadcast_in_dim3A_658 = vector.broadcast %jit3A_657 : i32 to vector<16xi32>
      %select_n3A_659 = arith.select %and3A_656, %sub3A_649, %broadcast_in_dim3A_658 : vector<16xi1>, vector<16xi32>
      tpu.vector_store_idx %arg6[%select_n3A_659], %broadcast_in_dim3A_1 masked %and3A_656 : memref<50000xf32, #tpu.memory_space<vmem>>[vector<16xi32>], vector<16xf32>, vector<16xi1>
      %sub3A_660 = arith.constant 50000 : i32
      %sub3A_661 = vector.broadcast %sub3A_660 : i32 to vector<16xi32>
      %sub3A_662 = arith.subi %get3A_40, %sub3A_661 : vector<16xi32>
      %ge3A_663 = arith.constant 0 : i32
      %ge3A_664 = vector.broadcast %ge3A_663 : i32 to vector<16xi32>
      %ge3A_665 = arith.cmpi sge, %sub3A_662, %ge3A_664 : vector<16xi32>
      %lt3A_666 = arith.constant 50000 : i32
      %lt3A_667 = vector.broadcast %lt3A_666 : i32 to vector<16xi32>
      %lt3A_668 = arith.cmpi slt, %sub3A_662, %lt3A_667 : vector<16xi32>
      %and3A_669 = arith.andi %ge3A_665, %lt3A_668 : vector<16xi1>
      %jit3A_670 = arith.constant 0 : i32
      %broadcast_in_dim3A_671 = vector.broadcast %jit3A_670 : i32 to vector<16xi32>
      %select_n3A_672 = arith.select %and3A_669, %sub3A_662, %broadcast_in_dim3A_671 : vector<16xi1>, vector<16xi32>
      tpu.vector_store_idx %arg6[%select_n3A_672], %broadcast_in_dim3A_1 masked %and3A_669 : memref<50000xf32, #tpu.memory_space<vmem>>[vector<16xi32>], vector<16xf32>, vector<16xi1>
      %sub3A_673 = arith.constant 50000 : i32
      %sub3A_674 = vector.broadcast %sub3A_673 : i32 to vector<16xi32>
      %sub3A_675 = arith.subi %get3A_46, %sub3A_674 : vector<16xi32>
      %ge3A_676 = arith.constant 0 : i32
      %ge3A_677 = vector.broadcast %ge3A_676 : i32 to vector<16xi32>
      %ge3A_678 = arith.cmpi sge, %sub3A_675, %ge3A_677 : vector<16xi32>
      %lt3A_679 = arith.constant 50000 : i32
      %lt3A_680 = vector.broadcast %lt3A_679 : i32 to vector<16xi32>
      %lt3A_681 = arith.cmpi slt, %sub3A_675, %lt3A_680 : vector<16xi32>
      %and3A_682 = arith.andi %ge3A_678, %lt3A_681 : vector<16xi1>
      %jit3A_683 = arith.constant 0 : i32
      %broadcast_in_dim3A_684 = vector.broadcast %jit3A_683 : i32 to vector<16xi32>
      %select_n3A_685 = arith.select %and3A_682, %sub3A_675, %broadcast_in_dim3A_684 : vector<16xi1>, vector<16xi32>
      tpu.vector_store_idx %arg6[%select_n3A_685], %broadcast_in_dim3A_1 masked %and3A_682 : memref<50000xf32, #tpu.memory_space<vmem>>[vector<16xi32>], vector<16xf32>, vector<16xi1>
      %sub3A_686 = arith.constant 50000 : i32
      %sub3A_687 = vector.broadcast %sub3A_686 : i32 to vector<16xi32>
      %sub3A_688 = arith.subi %get3A_52, %sub3A_687 : vector<16xi32>
      %ge3A_689 = arith.constant 0 : i32
      %ge3A_690 = vector.broadcast %ge3A_689 : i32 to vector<16xi32>
      %ge3A_691 = arith.cmpi sge, %sub3A_688, %ge3A_690 : vector<16xi32>
      %lt3A_692 = arith.constant 50000 : i32
      %lt3A_693 = vector.broadcast %lt3A_692 : i32 to vector<16xi32>
      %lt3A_694 = arith.cmpi slt, %sub3A_688, %lt3A_693 : vector<16xi32>
      %and3A_695 = arith.andi %ge3A_691, %lt3A_694 : vector<16xi1>
      %jit3A_696 = arith.constant 0 : i32
      %broadcast_in_dim3A_697 = vector.broadcast %jit3A_696 : i32 to vector<16xi32>
      %select_n3A_698 = arith.select %and3A_695, %sub3A_688, %broadcast_in_dim3A_697 : vector<16xi1>, vector<16xi32>
      tpu.vector_store_idx %arg6[%select_n3A_698], %broadcast_in_dim3A_1 masked %and3A_695 : memref<50000xf32, #tpu.memory_space<vmem>>[vector<16xi32>], vector<16xf32>, vector<16xi1>
      %sub3A_699 = arith.constant 50000 : i32
      %sub3A_700 = vector.broadcast %sub3A_699 : i32 to vector<16xi32>
      %sub3A_701 = arith.subi %get3A_58, %sub3A_700 : vector<16xi32>
      %ge3A_702 = arith.constant 0 : i32
      %ge3A_703 = vector.broadcast %ge3A_702 : i32 to vector<16xi32>
      %ge3A_704 = arith.cmpi sge, %sub3A_701, %ge3A_703 : vector<16xi32>
      %lt3A_705 = arith.constant 50000 : i32
      %lt3A_706 = vector.broadcast %lt3A_705 : i32 to vector<16xi32>
      %lt3A_707 = arith.cmpi slt, %sub3A_701, %lt3A_706 : vector<16xi32>
      %and3A_708 = arith.andi %ge3A_704, %lt3A_707 : vector<16xi1>
      %jit3A_709 = arith.constant 0 : i32
      %broadcast_in_dim3A_710 = vector.broadcast %jit3A_709 : i32 to vector<16xi32>
      %select_n3A_711 = arith.select %and3A_708, %sub3A_701, %broadcast_in_dim3A_710 : vector<16xi1>, vector<16xi32>
      tpu.vector_store_idx %arg6[%select_n3A_711], %broadcast_in_dim3A_1 masked %and3A_708 : memref<50000xf32, #tpu.memory_space<vmem>>[vector<16xi32>], vector<16xf32>, vector<16xi1>
      %sub3A_712 = arith.constant 50000 : i32
      %sub3A_713 = vector.broadcast %sub3A_712 : i32 to vector<16xi32>
      %sub3A_714 = arith.subi %get3A_64, %sub3A_713 : vector<16xi32>
      %ge3A_715 = arith.constant 0 : i32
      %ge3A_716 = vector.broadcast %ge3A_715 : i32 to vector<16xi32>
      %ge3A_717 = arith.cmpi sge, %sub3A_714, %ge3A_716 : vector<16xi32>
      %lt3A_718 = arith.constant 50000 : i32
      %lt3A_719 = vector.broadcast %lt3A_718 : i32 to vector<16xi32>
      %lt3A_720 = arith.cmpi slt, %sub3A_714, %lt3A_719 : vector<16xi32>
      %and3A_721 = arith.andi %ge3A_717, %lt3A_720 : vector<16xi1>
      %jit3A_722 = arith.constant 0 : i32
      %broadcast_in_dim3A_723 = vector.broadcast %jit3A_722 : i32 to vector<16xi32>
      %select_n3A_724 = arith.select %and3A_721, %sub3A_714, %broadcast_in_dim3A_723 : vector<16xi1>, vector<16xi32>
      tpu.vector_store_idx %arg6[%select_n3A_724], %broadcast_in_dim3A_1 masked %and3A_721 : memref<50000xf32, #tpu.memory_space<vmem>>[vector<16xi32>], vector<16xf32>, vector<16xi1>
      %sub3A_725 = arith.constant 50000 : i32
      %sub3A_726 = vector.broadcast %sub3A_725 : i32 to vector<16xi32>
      %sub3A_727 = arith.subi %get3A_70, %sub3A_726 : vector<16xi32>
      %ge3A_728 = arith.constant 0 : i32
      %ge3A_729 = vector.broadcast %ge3A_728 : i32 to vector<16xi32>
      %ge3A_730 = arith.cmpi sge, %sub3A_727, %ge3A_729 : vector<16xi32>
      %lt3A_731 = arith.constant 50000 : i32
      %lt3A_732 = vector.broadcast %lt3A_731 : i32 to vector<16xi32>
      %lt3A_733 = arith.cmpi slt, %sub3A_727, %lt3A_732 : vector<16xi32>
      %and3A_734 = arith.andi %ge3A_730, %lt3A_733 : vector<16xi1>
      %jit3A_735 = arith.constant 0 : i32
      %broadcast_in_dim3A_736 = vector.broadcast %jit3A_735 : i32 to vector<16xi32>
      %select_n3A_737 = arith.select %and3A_734, %sub3A_727, %broadcast_in_dim3A_736 : vector<16xi1>, vector<16xi32>
      tpu.vector_store_idx %arg6[%select_n3A_737], %broadcast_in_dim3A_1 masked %and3A_734 : memref<50000xf32, #tpu.memory_space<vmem>>[vector<16xi32>], vector<16xf32>, vector<16xi1>
      %sub3A_738 = arith.constant 50000 : i32
      %sub3A_739 = vector.broadcast %sub3A_738 : i32 to vector<16xi32>
      %sub3A_740 = arith.subi %get3A_76, %sub3A_739 : vector<16xi32>
      %ge3A_741 = arith.constant 0 : i32
      %ge3A_742 = vector.broadcast %ge3A_741 : i32 to vector<16xi32>
      %ge3A_743 = arith.cmpi sge, %sub3A_740, %ge3A_742 : vector<16xi32>
      %lt3A_744 = arith.constant 50000 : i32
      %lt3A_745 = vector.broadcast %lt3A_744 : i32 to vector<16xi32>
      %lt3A_746 = arith.cmpi slt, %sub3A_740, %lt3A_745 : vector<16xi32>
      %and3A_747 = arith.andi %ge3A_743, %lt3A_746 : vector<16xi1>
      %jit3A_748 = arith.constant 0 : i32
      %broadcast_in_dim3A_749 = vector.broadcast %jit3A_748 : i32 to vector<16xi32>
      %select_n3A_750 = arith.select %and3A_747, %sub3A_740, %broadcast_in_dim3A_749 : vector<16xi1>, vector<16xi32>
      tpu.vector_store_idx %arg6[%select_n3A_750], %broadcast_in_dim3A_1 masked %and3A_747 : memref<50000xf32, #tpu.memory_space<vmem>>[vector<16xi32>], vector<16xf32>, vector<16xi1>
      %sub3A_751 = arith.constant 50000 : i32
      %sub3A_752 = vector.broadcast %sub3A_751 : i32 to vector<16xi32>
      %sub3A_753 = arith.subi %get3A_82, %sub3A_752 : vector<16xi32>
      %ge3A_754 = arith.constant 0 : i32
      %ge3A_755 = vector.broadcast %ge3A_754 : i32 to vector<16xi32>
      %ge3A_756 = arith.cmpi sge, %sub3A_753, %ge3A_755 : vector<16xi32>
      %lt3A_757 = arith.constant 50000 : i32
      %lt3A_758 = vector.broadcast %lt3A_757 : i32 to vector<16xi32>
      %lt3A_759 = arith.cmpi slt, %sub3A_753, %lt3A_758 : vector<16xi32>
      %and3A_760 = arith.andi %ge3A_756, %lt3A_759 : vector<16xi1>
      %jit3A_761 = arith.constant 0 : i32
      %broadcast_in_dim3A_762 = vector.broadcast %jit3A_761 : i32 to vector<16xi32>
      %select_n3A_763 = arith.select %and3A_760, %sub3A_753, %broadcast_in_dim3A_762 : vector<16xi1>, vector<16xi32>
      tpu.vector_store_idx %arg6[%select_n3A_763], %broadcast_in_dim3A_1 masked %and3A_760 : memref<50000xf32, #tpu.memory_space<vmem>>[vector<16xi32>], vector<16xf32>, vector<16xi1>
      %sub3A_764 = arith.constant 50000 : i32
      %sub3A_765 = vector.broadcast %sub3A_764 : i32 to vector<16xi32>
      %sub3A_766 = arith.subi %get3A_88, %sub3A_765 : vector<16xi32>
      %ge3A_767 = arith.constant 0 : i32
      %ge3A_768 = vector.broadcast %ge3A_767 : i32 to vector<16xi32>
      %ge3A_769 = arith.cmpi sge, %sub3A_766, %ge3A_768 : vector<16xi32>
      %lt3A_770 = arith.constant 50000 : i32
      %lt3A_771 = vector.broadcast %lt3A_770 : i32 to vector<16xi32>
      %lt3A_772 = arith.cmpi slt, %sub3A_766, %lt3A_771 : vector<16xi32>
      %and3A_773 = arith.andi %ge3A_769, %lt3A_772 : vector<16xi1>
      %jit3A_774 = arith.constant 0 : i32
      %broadcast_in_dim3A_775 = vector.broadcast %jit3A_774 : i32 to vector<16xi32>
      %select_n3A_776 = arith.select %and3A_773, %sub3A_766, %broadcast_in_dim3A_775 : vector<16xi1>, vector<16xi32>
      tpu.vector_store_idx %arg6[%select_n3A_776], %broadcast_in_dim3A_1 masked %and3A_773 : memref<50000xf32, #tpu.memory_space<vmem>>[vector<16xi32>], vector<16xf32>, vector<16xi1>
      %sub3A_777 = arith.constant 50000 : i32
      %sub3A_778 = vector.broadcast %sub3A_777 : i32 to vector<16xi32>
      %sub3A_779 = arith.subi %get3A_94, %sub3A_778 : vector<16xi32>
      %ge3A_780 = arith.constant 0 : i32
      %ge3A_781 = vector.broadcast %ge3A_780 : i32 to vector<16xi32>
      %ge3A_782 = arith.cmpi sge, %sub3A_779, %ge3A_781 : vector<16xi32>
      %lt3A_783 = arith.constant 50000 : i32
      %lt3A_784 = vector.broadcast %lt3A_783 : i32 to vector<16xi32>
      %lt3A_785 = arith.cmpi slt, %sub3A_779, %lt3A_784 : vector<16xi32>
      %and3A_786 = arith.andi %ge3A_782, %lt3A_785 : vector<16xi1>
      %jit3A_787 = arith.constant 0 : i32
      %broadcast_in_dim3A_788 = vector.broadcast %jit3A_787 : i32 to vector<16xi32>
      %select_n3A_789 = arith.select %and3A_786, %sub3A_779, %broadcast_in_dim3A_788 : vector<16xi1>, vector<16xi32>
      tpu.vector_store_idx %arg6[%select_n3A_789], %broadcast_in_dim3A_1 masked %and3A_786 : memref<50000xf32, #tpu.memory_space<vmem>>[vector<16xi32>], vector<16xf32>, vector<16xi1>
    }
    %scan3A_16 = arith.constant 32 : i32
    return
  }
}

module attributes {stable_mosaic.version = 14 : i64} {
  func.func @_softmax_body(%arg0: memref<1024x200xf32, #tpu.memory_space<vmem>>, %arg1: memref<1024x200xf32, #tpu.memory_space<vmem>>) attributes {dimension_semantics = [], scalar_prefetch = 0 : i64, scratch_operands = 0 : i64, tpu.core_type = #tpu.core_type<tc>} {
    %get3A = arith.constant 0 : index
    %get3A_0 = arith.constant 0 : index
    %get3A_1 = vector.load %arg0[%get3A, %get3A_0] : memref<1024x200xf32, #tpu.memory_space<vmem>>, vector<1024x200xf32>
    %reduce_max3A = arith.constant dense<0xFF800000> : vector<1024xf32>
    %reduce_max3A_2 = vector.multi_reduction <maximumf>, %get3A_1, %reduce_max3A [1] : vector<1024x200xf32> to vector<1024xf32>
    %broadcast_in_dim3A = vector.shape_cast %reduce_max3A_2 : vector<1024xf32> to vector<1024x1xf32>
    %sub3A = vector.broadcast %broadcast_in_dim3A : vector<1024x1xf32> to vector<1024x200xf32>
    %sub3A_3 = arith.subf %get3A_1, %sub3A : vector<1024x200xf32>
    %exp3A = math.exp %sub3A_3 : vector<1024x200xf32>
    %reduce_sum3A = arith.constant dense<0.000000e+00> : vector<1024xf32>
    %reduce_sum3A_4 = vector.multi_reduction <add>, %exp3A, %reduce_sum3A [1] : vector<1024x200xf32> to vector<1024xf32>
    %broadcast_in_dim3A_5 = vector.shape_cast %reduce_sum3A_4 : vector<1024xf32> to vector<1024x1xf32>
    %div3A = vector.broadcast %broadcast_in_dim3A_5 : vector<1024x1xf32> to vector<1024x200xf32>
    %div3A_6 = arith.divf %exp3A, %div3A : vector<1024x200xf32>
    %swap3A = arith.constant 0 : index
    %swap3A_7 = arith.constant 0 : index
    %swap3A_8 = vector.load %arg1[%swap3A, %swap3A_7] : memref<1024x200xf32, #tpu.memory_space<vmem>>, vector<1024x200xf32>
    tpu.vector_store %arg1[%swap3A, %swap3A_7], %div3A_6 {strides = array<i32>} : memref<1024x200xf32, #tpu.memory_space<vmem>>, vector<1024x200xf32>,
    return
  }
}

</mosaic_0001>

<sc_bundles>
// kernel: kernel.4.cloned.1.call-start
scs
__scs_entry_jumppad:
0x0: {  	(pc) =	sbr.rel $0x88, $3  }
0x1: {  	(tag) =	ssettag $0x0;
	lr =	simm.s32 $0x1  }
0x2: {  	[smem:$0x3F9F] =	sst lr;
	_ =	strace $0xD0000000  }
0x3: {  	_ = 	snop  }
0x4: {  	_ = 	snop  }
0x5: {  	_ = 	snop  }
0x6: {  	_ = 	snop  }
0x7: {  	_ = 	snop  }
__scs_overlays_trampoline_lowered:
0x8: {  	[smem:$0x3FAE] =	sst s0  }
0x9: {  	[smem:$0x3FAF] =	sst s1  }
0xa: {  	[smem:$0x3FB0] =	sst s2  }
0xb: {  	[smem:$0x3FB1] =	sst s3  }
0xc: {  	[smem:$0x3FB2] =	sst s4  }
0xd: {  	[smem:$0x3FB3] =	sst s5  }
0xe: {  	[smem:$0x3FB4] =	sst s6  }
0xf: {  	[smem:$0x3FB5] =	sst s7  }
0x10: {  	[smem:$0x3FB6] =	sst s8  }
0x11: {  	[smem:$0x3FB7] =	sst s9;
	s0 =	simm.s32 @!p0 $0x0  }
0x12: {  	s1 =	sld [smem:$0x3F9D];
	s0 =	simm.s32 @p0 $0x1  }
0x13: {  	[smem:$0x3FB8] =	sst s0;
	s0 =	simm.s32 @!p1 $0x0  }
0x14: {  	s2 =	sld [smem:$0x3F9C];
	s0 =	simm.s32 @p1 $0x1  }
0x15: {  	[smem:$0x3FB9] =	sst s0;
	s0 =	simm.s32 @!p2 $0x0  }
0x16: {  	s3 =	sld [smem:$0x3FDB];
	s0 =	simm.s32 @p2 $0x1  }
0x17: {  	s4 =	simm.s32 $0x1BF5;
	[smem:$0x3FBB] =	sst s0  }
0x18: {  	s0 =	sld [smem:$0x3F9E];
	_ =	swait.ge [sflag:s4], $0x0  }
0x19: {  	s7 =	sld [smem:$0x3F9F]  }
0x1a: {  	s8 =	sadd.s32 $0xFFFFE003, lr  }
0x1b: {  	s9 =	sadd.s32 $0xFFFFFEF7, lr;
	s5 =	simm.s32 $0xFFFFFFFF;
	p2 =	slt.u32 s8, $0xFFFFF086  }
0x1c: {  	p1 =	slt.u32 s9, $0xF7A;
	s5 =	simm.s32 @!p2 $0x0  }
0x1d: {  	s5 =	simm.s32 @p1 $0x1;
	p0 =	seq.s32 s7, s2  }
0x1e: {  	s7 =	smul.u32 @!p0 $0xF7A, s2;
	p2 =	seq.s32 @!p0 s5, $0x0  }
0x1f: {  	s9 =	smul.u32 $0xF7A, s1;
	s8 =	simm.s32 @!p0 $0x1BF5;
	p2 =	por !p2, p0  }
0x20: {  	[sflag:s8] =	ssyncset.s32 @!p0 $0xFFFFF086;
	s6 =	sadd.s32 @!p0 s3, s7;
	s7 =	simm.s32 @!p0 $0x108  }
0x21: {  	s3 =	sadd.s32 s3, s9;
	s6 =	sadd.s32 @!p0 $0x88, s6;
	s7 =	simm.s32 @p2 $0x1082  }
0x22: {  	[simem:s7], [sflag:s8] =	dma.local @!p0 [hbm:s6], $0xF7A  }
0x23: {  	s9 =	sor.u32 $0xD0000000, s2;
	s6 =	simm.s32 $0x108;
	_ =	swait.ge @!p0 [sflag:s8], $0x0  }
0x24: {  	s3 =	sadd.s32 $0x88, s3;
	s6 =	simm.s32 @!p1 $0x1082;
	[sflag:s4] =	ssyncset.s32 $0xFFFFF086  }
0x25: {  	[simem:s6], [sflag:s4] =	dma.local [hbm:s3], $0xF7A  }
0x26: {  	[smem:$0x3F9F] =	sst s1;
	(tag) =	ssettag s2;
	_ =	strace s9  }
0x27: {  	s1 =	sld [smem:$0x3FAF]  }
0x28: {  	s2 =	sld [smem:$0x3FB0]  }
0x29: {  	s4 =	sld [smem:$0x3FB2]  }
0x2a: {  	p0 =	seq.s32 s5, $0x0;
	s5 =	sld [smem:$0x3FB3]  }
0x2b: {  	s6 =	sld [smem:$0x3FB4]  }
0x2c: {  	s7 =	sld [smem:$0x3FB5]  }
0x2d: {  	s3 =	simm.s32 $0x108;
	s8 =	sld [smem:$0x3FB6]  }
0x2e: {  	s3 =	simm.s32 @!p0 $0x1082;
	s9 =	sld [smem:$0x3FB7]  }
0x2f: {  	lr =	sadd.s32 s0, s3;
	s0 =	sld [smem:$0x3FAE]  }
0x30: {  	s3 =	sld [smem:$0x3FB1]  }
0x31: {  	[smem:$0x3FBA] =	sst s10  }
0x32: {  	s10 =	sld [smem:$0x3FB8];
	_ =	sdelay $0x3  }
0x33: {  	p0 =	seq.s32 s10, $0x1;
	s10 =	sld [smem:$0x3FBA];
	_ =	sdelay $0x3  }
0x34: {  	[smem:$0x3FBA] =	sst s10  }
0x35: {  	s10 =	sld [smem:$0x3FB9];
	_ =	sdelay $0x3  }
0x36: {  	p1 =	seq.s32 s10, $0x1;
	s10 =	sld [smem:$0x3FBA];
	_ =	sdelay $0x3  }
0x37: {  	[smem:$0x3FBA] =	sst s10  }
0x38: {  	s10 =	sld [smem:$0x3FBB]  }
0x39: {  	_ = 	snop;
	(pc) =	sbr.ind lr, $3  }
0x3a: {  	_ = 	snop  }
0x3b: {  	_ = 	snop  }
0x3c: {  	p2 =	seq.s32 s10, $0x1;
	s10 =	sld [smem:$0x3FBA]  }
0x3d: {  	_ =	shalt  }
0x3e: {  	_ =	shalt  }
0x3f: {  	_ =	shalt  }
0x40: {  	_ =	shalt  }
0x41: {  	_ =	shalt  }
0x42: {  	_ =	shalt  }
0x43: {  	_ =	shalt  }
0x44: {  	_ =	shalt  }
0x45: {  	_ =	shalt  }
0x46: {  	_ =	shalt  }
0x47: {  	_ =	shalt  }
0x48: {  	_ =	shalt  }
0x49: {  	_ =	shalt  }
0x4a: {  	_ =	shalt  }
0x4b: {  	_ =	shalt  }
0x4c: {  	_ =	shalt  }
0x4d: {  	_ =	shalt  }
0x4e: {  	_ =	shalt  }
0x4f: {  	_ =	shalt  }
0x50: {  	_ =	shalt  }
0x51: {  	_ =	shalt  }
0x52: {  	_ =	shalt  }
0x53: {  	_ =	shalt  }
0x54: {  	_ =	shalt  }
0x55: {  	_ =	shalt  }
0x56: {  	_ =	shalt  }
0x57: {  	_ =	shalt  }
0x58: {  	_ =	shalt  }
0x59: {  	_ =	shalt  }
0x5a: {  	_ =	shalt  }
0x5b: {  	_ =	shalt  }
0x5c: {  	_ =	shalt  }
0x5d: {  	_ =	shalt  }
0x5e: {  	_ =	shalt  }
0x5f: {  	_ =	shalt  }
0x60: {  	_ =	shalt  }
0x61: {  	_ =	shalt  }
0x62: {  	_ =	shalt  }
0x63: {  	_ =	shalt  }
0x64: {  	_ =	shalt  }
0x65: {  	_ =	shalt  }
0x66: {  	_ =	shalt  }
0x67: {  	_ =	shalt  }
0x68: {  	_ =	shalt  }
0x69: {  	_ =	shalt  }
0x6a: {  	_ =	shalt  }
0x6b: {  	_ =	shalt  }
0x6c: {  	_ =	shalt  }
0x6d: {  	_ =	shalt  }
0x6e: {  	_ =	shalt  }
0x6f: {  	_ =	shalt  }
0x70: {  	_ =	shalt  }
0x71: {  	_ =	shalt  }
0x72: {  	_ =	shalt  }
0x73: {  	_ =	shalt  }
0x74: {  	_ =	shalt  }
0x75: {  	_ =	shalt  }
0x76: {  	_ =	shalt  }
0x77: {  	_ =	shalt  }
0x78: {  	_ =	shalt  }
0x79: {  	_ =	shalt  }
0x7a: {  	_ =	shalt  }
0x7b: {  	_ =	shalt  }
0x7c: {  	_ =	shalt  }
0x7d: {  	_ =	shalt  }
0x7e: {  	_ =	shalt  }
0x7f: {  	_ =	shalt  }
0x80: {  	_ =	shalt  }
0x81: {  	_ =	shalt  }
0x82: {  	_ =	shalt  }
0x83: {  	_ =	shalt  }
0x84: {  	_ =	shalt  }
0x85: {  	_ =	shalt  }
0x86: {  	_ =	shalt  }
0x87: {  	_ =	shalt  }
.Lfunc_end0:
.L_simem_size_0:
called_computation.1_lowered:
.L_overlay_start_0:
0x88: {  	s2 =	sld [smem:$0x3FD9]  }
0x89: {  	s3 =	sld [smem:$0x3FFE];
	_ =	sdelay $0x1  }
0x8a: {  	s1 =	srdreg.scid  }
0x8b: {  	s0 =	sand.u32 $0x1, s1  }
0x8c: {  	s14 =	sshll.u32 s0, $0xA;
	s2 =	sadd.s32 s3, s2  }
0x8d: {  	s2 =	sadd.s32 s2, s14  }
0x8e: {  	[smem:$0x3FC6] =	sst s2  }
0x8f: {  	_ = 	snop  }
0x90: {  	s2 =	sld [smem:$0x3FD0];
	_ =	sdelay $0x2  }
0x91: {  	s15 =	simm.s32 $0xA;
	s4 =	simm.s32 $0x10  }
0x92: {  	[smem:s4], [sflag:s15] =	dma.local [hbm:s2], $0x1  }
0x93: {  	_ =	swait.eq [sflag:s15], $0x1  }
0x94: {  	[sflag:s15] =	ssyncset.done $0x0  }
0x95: {  	s16 =	sld [smem:$0x10];
	[sflag:s15] =	ssyncadd.s32 $0xFFFFFFFF  }
0x96: {  	s17 =	sld [smem:$0x11];
	(tm) =	ssettm $0x1  }
0x97: {  	s18 =	sld [smem:$0x3FFB];
	_ =	sdelay $0x3  }
0x98: {  	_ =	strace s18  }
0x99: {  	s4 =	sld [smem:$0x3FFC];
	_ =	sdelay $0x3  }
0x9a: {  	_ =	strace s4  }
0x9b: {  	s4 =	sld [smem:$0x3FFD];
	_ =	sdelay $0x3  }
0x9c: {  	_ =	strace s4  }
0x9d: {  	_ =	strace $0x8FFFFFFF  }
0x9e: {  	s19 =	sld [smem:$0x3FDB];
	_ =	sdelay $0x1  }
0x9f: {  	s5 =	simm.s32 $_scs_section_size  }
0xa0: {  	s6 =	simm.s32 $_size__tile_overlayer_lowered;
	s7 =	simm.s32 $_tile_overlayer_lowered  }
0xa1: {  	s22 =	simm.s32 $0x1BFF;
	s21 =	sshll.u32 s7, $0x1;
	s4 =	sadd.s32 s5, s19  }
0xa2: {  	s8 =	simm.s32 $0x0;
	s20 =	sshll.u32 s6, $0x1;
	s6 =	sadd.s32 s21, s4  }
0xa3: {  	[timem:s8], [sflag:s22] =	dma.local [hbm:s6], s20  }
0xa4: {  	_ =	swait.ge [sflag:s22], s20  }
0xa5: {  	s5 =	ssub.s32 $0x0, s20;
	[sflag:s22] =	ssyncset.done $0x0  }
0xa6: {  	[sflag:s22] =	ssyncadd.s32 s5;
	_ =	sdelay $0x1  }
0xa7: {  	s23 =	simm.s32 $0x1B8B  }
0xa8: {  	_ =	swait.ge [sflag:s23], $0x1  }
0xa9: {  	[sflag:s23] =	ssyncset.done $0x0  }
0xaa: {  	s25 =	simm.s32 $0x1B8E;
	s24 =	sld [smem:$0x3FFE];
	[sflag:s23] =	ssyncadd.s32 $0xFFFFFFFF  }
0xab: {  	s26 =	simm.s32 $execute0_lowered;
	[smem:$0x3FD2] =	sst s25  }
0xac: {  	s6 =	sshll.u32 s26, $0x1;
	_ =	strace $0x80000046;
	[dreg:$0x1] =	wrdreg $0xFFFFFFFF  }
0xad: {  	s28 =	simm.s32 $_size_execute0_lowered;
	s4 =	sadd.s32 s4, s6;
	[dreg:$0x0] =	wrdreg $0x0  }
0xae: {  	s6 =	sshll.u32 s28, $0x1;
	[dreg:$0x2] =	wrdreg s4  }
0xaf: {  	[dreg:$0x3] =	wrdreg s6  }
0xb0: {  	[dreg:$0x4] =	wrdreg $0xC0  }
0xb1: {  	_ =	task [dreg:s8], $0x5FFFF  }
0xb2: {  	[dreg:$0x1] =	wrdreg $0xFFFFFFFF  }
0xb3: {  	[dreg:$0x0] =	wrdreg $0x60  }
0xb4: {  	[dreg:$0x2] =	wrdreg s24  }
0xb5: {  	[dreg:$0x3] =	wrdreg s17  }
0xb6: {  	[dreg:$0x4] =	wrdreg s16  }
0xb7: {  	[dreg:$0x5] =	wrdreg $0x9  }
0xb8: {  	_ =	task.clear_ibuf [dreg:s8], $0x6FFFF;
	_ =	strace $0x90000046  }
0xb9: {  	s29 =	simm.s32 $0x9;
	_ =	strace $0x80000048  }
0xba: {  	_ =	swait.ge [sflag:s29], $0x1  }
0xbb: {  	[sflag:s29] =	ssyncadd.s32 $0xFFFFFFFF  }
0xbc: {  	_ =	strace $0x90000048  }
0xbd: {  	_ =	sfence  }
0xbe: {  	s30 =	sld [smem:$0x0];
	_ =	sdelay $0x2  }
0xbf: {  	s31 =	sshll.u32 s1, $0xD;
	s1 =	sshrl.u32 s1, $0x2  }
0xc0: {  	s3 =	sand.u32 $0x4000, s31;
	s1 =	sadd.s32 s1, s30  }
0xc1: {  	s0 =	sor.u32 s3, s0;
	s1 =	sshll.u32 s1, $0x11  }
0xc2: {  	s0 =	sor.u32 s1, s0  }
0xc3: {  	s0 =	sadd.s32 $0x8F2B, s0  }
0xc4: {  	[sflag:s0] =	ssyncadd.remote.s32 $0x1  }
0xc5: {  	_ =	sfence.sel $0xFFFF  }
0xc6: {  	[dreg:$0x0] =	wrdreg $0xFFFFFFFF;
	(pc) =	sbr.abs _section_cstart, $3  }
0xc7: {  	[dreg:$0x1] =	wrdreg $0xFFFFFFFF  }
0xc8: {  	_ =	task.clear_ibuf [dreg:s8], $0x2FFFF;
	_ =	strace $0x9FFFFFFF  }
0xc9: {  	(tm) =	ssettm $0x7FFFFFFF  }
tec
execute0_lowered:
.L_overlay_start_1:
0x0: {  	(tag) =	ssettag $0x1  }
0x1: {  	s4 =	rddreg [dreg:$0x0]  }
0x2: {  	s1 =	srdreg.scid;
	s5 =	rddreg [dreg:$0x1]  }
0x3: {  	s0 =	stileid.u32;
	s7 =	rddreg [dreg:$0x2];
	s11 =	simm.s32 $0xC350  }
0x4: {  	s12 =	simm.s32 $0x1;
	s13 =	simm.s32 $0x2;
	s3 =	sand.u32 $0x1, s1  }
0x5: {  	s29 =	sshll.u32 s0, $0x6;
	s8 =	smul.u32 $0x61A800, s0;
	s2 =	sshll.u32 s3, $0x5  }
0x6: {  	s9 =	ssub.s32 $0x2, s3;
	s3 =	smul.u32 $0x30D400, s3;
	s1 =	sor.u32 s2, s29  }
0x7: {  	s2 =	simm.s32 $0x0;
	s6 =	smul.u32 $0x19, s1;
	s1 =	rddreg [dreg:$0x3]  }
0x8: {  	s14 =	simm.s32 $0x0;
	s10 =	sshrl.u32 s9, $0x1;
	[smem:$0x7FF] =	sst s2  }
0x9: {  	s9 =	ssub.s32 s9, s10;
	s8 =	sadd.s32 s3, s8;
	s10 =	simm.s32 $0x19FA0  }
0xa: {  	_ =	strace $0x80000047;
	s30 =	sadd.s32 $0xC350, s8;
	s4 =	sadd.s32 s6, s4  }
0xb: {  	s8 =	sshrl.u32 s8, $0x3;
	s31 =	sshrl.u32 s30, $0x3;
	s3 =	sadd.s32 $0x8000, s4  }
0xc: {  	s4 =	sadd.s32 s5, s6;
	s5 =	smax.u32 s9, $0x1;
	s6 =	sadd.s32 s8, s7  }
0xd: {  	v0 =	vimm.f32 $0.0e+00;
	s7 =	sadd.s32 s31, s7;
	s8 =	simm.s32 $0x186A0;
	s9 =	simm.s32 $0x3  }
.LBB2_1:
0xe: {  	s15 =	simm.s32 $0x40;
	s16 =	simm.s32 $0x0  }
.LBB2_2:
0xf: {  	p0 =	sne.s32 s15, $0x30D00;
	[tilespmem:s16+$0x0] =	vst v0;
	s17 =	smov.u32 s15;
	s15 =	sadd.s32 $0x40, s15  }
.Ltmp0:
0x10: {  	[tilespmem:s16+$0xC350] =	vst v0;
	(pc) =	sbr.rel @p0 .LBB2_2-.Ltmp0, $2  }
0x11: {  	_ =	sdelay $0x2  }
0x12: {  	s16 =	sshra.s32 s17, $0x2  }
0x13: {  	[tilespmem:s16+$0x0] =	vst v0  }
0x14: {  	[tilespmem:s16+$0xC350] =	vst v0;
	s15 =	simm.s32 $0x0  }
0x15: {  	[tilespmem:s8], [sflag:$0x3] =	stream.linear.gather [hbm4b:s3+s15], $0x1900, $0x38;
	[tilespmem:$0x1B8A0] =	vst v63  }
0x16: {  	_ =	swait.ge [sflag:s9], $0x1900  }
0x17: {  	[sflag:s9] =	ssyncset.done $0x0  }
0x18: {  	[sflag:s9] =	ssyncadd.s32 $0xFFFFE700  }
0x19: {  	[tilespmem:s10], [sflag:$0x3] =	stream.linear.gather [hbm4b:s4+s15], $0x1900, $0x38;
	[tilespmem:$0x1B8A0] =	vst v63  }
0x1a: {  	_ =	swait.ge [sflag:s9], $0x1900  }
0x1b: {  	[sflag:s9] =	ssyncset.done $0x0  }
0x1c: {  	s15 =	simm.s32 $0x1A000;
	[sflag:s9] =	ssyncadd.s32 $0xFFFFE700  }
0x1d: {  	s16 =	simm.s32 $0x18700;
	v1 =	vld [tilespmem:s15+$0x58]  }
0x1e: {  	v2 =	vld [tilespmem:s16+$0x58]  }
0x1f: {  	v3 =	vld [tilespmem:s15+$0x50]  }
0x20: {  	v4 =	vld [tilespmem:s16+$0x50]  }
0x21: {  	v5 =	vld [tilespmem:s15+$0x40]  }
0x22: {  	v6 =	vld [tilespmem:s16+$0x40]  }
0x23: {  	v7 =	vld [tilespmem:s15+$0x30]  }
0x24: {  	v8 =	vld [tilespmem:s15+$0x20]  }
0x25: {  	v9 =	vld [tilespmem:s15+$0x10]  }
0x26: {  	v10 =	vld [tilespmem:s15+$0x0]  }
0x27: {  	v11 =	vld [tilespmem:s15+$0xFFFFFFF0]  }
0x28: {  	v12 =	vld [tilespmem:s16+$0x30]  }
0x29: {  	v16 =	vld [tilespmem:s16+$0xFFFFFFA0]  }
0x2a: {  	v17 =	vld [tilespmem:s16+$0xFFFFFFB0]  }
0x2b: {  	v18 =	vld [tilespmem:s16+$0xFFFFFFC0]  }
0x2c: {  	v19 =	vld [tilespmem:s16+$0xFFFFFFD0]  }
0x2d: {  	v24 =	vimm.s32 $0x0;
	v20 =	vld [tilespmem:s16+$0xFFFFFFE0]  }
0x2e: {  	v26 =	vimm.s32 $0x0;
	v28 =	vimm.s32 $0x0;
	v21 =	vld [tilespmem:s16+$0xFFFFFFF0];
	vm1 =	vlt.u32 v16, $0xC350  }
0x2f: {  	v30 =	vimm.s32 $0x0;
	v13 =	vld [tilespmem:s16+$0x20];
	vm2 =	vlt.u32 v17, $0xC350;
	v24 =	vsel vm1, $0xFFFFFFFF, v24  }
0x30: {  	v32 =	vimm.s32 $0x0;
	v15 =	vld [tilespmem:s16+$0x0];
	vm3 =	vlt.u32 v18, $0xC350;
	v26 =	vsel vm2, $0xFFFFFFFF, v26;
	[tilespmem:$0x1FF50] =	vst v24  }
0x31: {  	v22 =	vld [tilespmem:s15+$0xFFFFFFA0];
	vm4 =	vlt.u32 v19, $0xC350;
	v23 =	vnsel vm1, $0x0, v16;
	v28 =	vsel vm3, $0xFFFFFFFF, v28;
	[tilespmem:$0x1FF60] =	vst v26  }
0x32: {  	v52 =	vld [tilespmem:s15+$0xFFFFFFB0];
	vm5 =	vlt.u32 v20, $0xC350;
	v25 =	vnsel vm2, $0x0, v17;
	v30 =	vsel vm4, $0xFFFFFFFF, v30;
	[tilespmem:$0x1FF70] =	vst v28  }
0x33: {  	v33 =	vimm.s32 $0x0;
	v14 =	vld [tilespmem:s16+$0x10];
	vm0 =	vlt.u32 v21, $0xC350;
	v32 =	vsel vm5, $0xFFFFFFFF, v32;
	[tilespmem:$0x1FF80] =	vst v30  }
0x34: {  	v53 =	vld [tilespmem:s15+$0xFFFFFFC0];
	v27 =	vnsel vm3, $0x0, v18;
	v33 =	vsel vm0, $0xFFFFFFFF, v33;
	[tilespmem:$0x1FF90] =	vst v32  }
0x35: {  	v34 =	vimm.s32 $0x0;
	v54 =	vld [tilespmem:s15+$0xFFFFFFD0];
	v29 =	vnsel vm4, $0x0, v19;
	[tilespmem:$0x1FFA0] =	vst v33  }
0x36: {  	v55 =	vld [tilespmem:s15+$0xFFFFFFE0];
	v56 =	vnsel vm0, $0x0, v21;
	[tilespmem:v23+s2+$0x0] =	vst.idx.msk vm1, v22;
	vm1 =	vmmov vm0;
	vm0 =	vlt.u32 v15, $0xC350  }
0x37: {  	v35 =	vimm.s32 $0x0;
	v31 =	vnsel vm5, $0x0, v20;
	[tilespmem:v25+s2+$0x0] =	vst.idx.msk vm2, v52;
	v34 =	vsel vm0, $0xFFFFFFFF, v34  }
0x38: {  	v57 =	vnsel vm0, $0x0, v15;
	vm2 =	vmmov vm0;
	vm0 =	vlt.u32 v14, $0xC350;
	[tilespmem:$0x1FFB0] =	vst v34  }
0x39: {  	v36 =	vimm.s32 $0x0;
	[tilespmem:v27+s2+$0x0] =	vst.idx.msk vm3, v53;
	v35 =	vsel vm0, $0xFFFFFFFF, v35  }
0x3a: {  	v58 =	vnsel vm0, $0x0, v14;
	vm3 =	vmmov vm0;
	vm0 =	vlt.u32 v13, $0xC350;
	[tilespmem:$0x1FFC0] =	vst v35  }
0x3b: {  	v37 =	vimm.s32 $0x0;
	[tilespmem:v29+s2+$0x0] =	vst.idx.msk vm4, v54;
	v36 =	vsel vm0, $0xFFFFFFFF, v36  }
0x3c: {  	v59 =	vnsel vm0, $0x0, v13;
	vm10 =	vmmov vm0;
	vm0 =	vlt.u32 v12, $0xC350;
	[tilespmem:$0x1FFD0] =	vst v36  }
0x3d: {  	v38 =	vimm.s32 $0x0;
	[tilespmem:v31+s2+$0x0] =	vst.idx.msk vm5, v55;
	v37 =	vsel vm0, $0xFFFFFFFF, v37  }
0x3e: {  	v60 =	vnsel vm0, $0x0, v12;
	vm11 =	vmmov vm0;
	vm0 =	vlt.u32 v6, $0xC350;
	[tilespmem:$0x1FFE0] =	vst v37  }
0x3f: {  	v38 =	vsel vm0, $0xFFFFFFFF, v38;
	[tilespmem:v56+s2+$0x0] =	vst.idx.msk vm1, v11  }
0x40: {  	vm12 =	vlt.u32 v4, $0xC350;
	v61 =	vnsel vm0, $0x0, v6;
	[tilespmem:$0x1FFF0] =	vst v38  }
0x41: {  	vm13 =	vlt.u32 v2, $0xC350;
	v62 =	vnsel vm12, $0x0, v4;
	[tilespmem:v57+s2+$0x0] =	vst.idx.msk vm2, v10  }
0x42: {  	v16 =	vadd.s32 $0xFFFF3CB0, v16;
	v39 =	vnsel vm13, $0x0, v2;
	[tilespmem:v58+s2+$0x0] =	vst.idx.msk vm3, v9  }
0x43: {  	v17 =	vadd.s32 $0xFFFF3CB0, v17;
	vm14 =	vlt.u32 v16, $0xC350;
	[tilespmem:v59+s2+$0x0] =	vst.idx.msk vm10, v8  }
0x44: {  	v18 =	vadd.s32 $0xFFFF3CB0, v18;
	vm15 =	vlt.u32 v17, $0xC350;
	v16 =	vnsel vm14, $0x0, v16;
	[tilespmem:v60+s2+$0x0] =	vst.idx.msk vm11, v7  }
0x45: {  	v19 =	vadd.s32 $0xFFFF3CB0, v19;
	v17 =	vnsel vm15, $0x0, v17;
	vm10 =	vlt.u32 v18, $0xC350;
	[tilespmem:v61+s2+$0x0] =	vst.idx.msk vm0, v5  }
0x46: {  	v20 =	vadd.s32 $0xFFFF3CB0, v20;
	vm9 =	vlt.u32 v19, $0xC350;
	v18 =	vnsel vm10, $0x0, v18;
	[tilespmem:v62+s2+$0x0] =	vst.idx.msk vm12, v3  }
0x47: {  	s17 =	sadd.s32 $0x0, s6;
	v21 =	vadd.s32 $0xFFFF3CB0, v21;
	vm8 =	vlt.u32 v20, $0xC350;
	v19 =	vnsel vm9, $0x0, v19;
	[tilespmem:v39+s2+$0x0] =	vst.idx.msk vm13, v1  }
0x48: {  	vm7 =	vlt.u32 v21, $0xC350;
	v20 =	vnsel vm8, $0x0, v20;
	v15 =	vadd.s32 $0xFFFF3CB0, v15;
	[hbm4b:s17+s2] =	stream.linear.scatter [tilespmem:s2], [sflag:$0x1], $0xC350, $0x38;
	[tilespmem:$0x1B8A0] =	vst v63  }
0x49: {  	v21 =	vnsel vm7, $0x0, v21;
	v14 =	vadd.s32 $0xFFFF3CB0, v14;
	vm6 =	vlt.u32 v15, $0xC350;
	[tilespmem:v16+s11+$0x0] =	vst.idx.msk vm14, v22  }
0x4a: {  	v15 =	vnsel vm6, $0x0, v15;
	v13 =	vadd.s32 $0xFFFF3CB0, v13;
	vm5 =	vlt.u32 v14, $0xC350;
	[tilespmem:v17+s11+$0x0] =	vst.idx.msk vm15, v52  }
0x4b: {  	v12 =	vadd.s32 $0xFFFF3CB0, v12;
	vm4 =	vlt.u32 v13, $0xC350;
	v14 =	vnsel vm5, $0x0, v14;
	[tilespmem:v18+s11+$0x0] =	vst.idx.msk vm10, v53  }
0x4c: {  	v6 =	vadd.s32 $0xFFFF3CB0, v6;
	v13 =	vnsel vm4, $0x0, v13;
	vm3 =	vlt.u32 v12, $0xC350;
	[tilespmem:v19+s11+$0x0] =	vst.idx.msk vm9, v54  }
0x4d: {  	v4 =	vadd.s32 $0xFFFF3CB0, v4;
	vm1 =	vlt.u32 v6, $0xC350;
	v12 =	vnsel vm3, $0x0, v12;
	[tilespmem:v20+s11+$0x0] =	vst.idx.msk vm8, v55  }
0x4e: {  	v2 =	vadd.s32 $0xFFFF3CB0, v2;
	v63 =	vnsel vm1, $0x0, v6;
	vm0 =	vlt.u32 v4, $0xC350;
	[tilespmem:v21+s11+$0x0] =	vst.idx.msk vm7, v11  }
0x4f: {  	vm2 =	vlt.u32 v2, $0xC350;
	v4 =	vnsel vm0, $0x0, v4;
	[tilespmem:v15+s11+$0x0] =	vst.idx.msk vm6, v10  }
0x50: {  	v6 =	vnsel vm2, $0x0, v2;
	[tilespmem:v14+s11+$0x0] =	vst.idx.msk vm5, v9  }
0x51: {  	[tilespmem:v13+s11+$0x0] =	vst.idx.msk vm4, v8  }
0x52: {  	[tilespmem:v12+s11+$0x0] =	vst.idx.msk vm3, v7  }
0x53: {  	[tilespmem:v63+s11+$0x0] =	vst.idx.msk vm1, v5  }
0x54: {  	[tilespmem:v4+s11+$0x0] =	vst.idx.msk vm0, v3  }
0x55: {  	s31 =	sadd.s32 $0x0, s7;
	[tilespmem:v6+s11+$0x0] =	vst.idx.msk vm2, v1  }
0x56: {  	[hbm4b:s31+s2] =	stream.linear.scatter [tilespmem:s11], [sflag:$0x2], $0xC350, $0x38;
	[tilespmem:$0x1B8A0] =	vst v63  }
0x57: {  	_ =	swait.ge [sflag:s12], $0xC350  }
0x58: {  	v1 =	vld [tilespmem:$0x1FF50];
	_ =	sdelay $0x4  }
0x59: {  	vm11 =	vnez.u8 v1  }
0x5a: {  	v1 =	vld [tilespmem:$0x1FF60];
	_ =	sdelay $0x2  }
0x5b: {  	[sflag:s12] =	ssyncset.done $0x0  }
0x5c: {  	[sflag:s12] =	ssyncadd.s32 $0xFFFF3CB0  }
0x5d: {  	[tilespmem:v23+s2+$0x0] =	vst.idx.msk vm11, v0;
	vm11 =	vnez.u8 v1  }
0x5e: {  	v1 =	vld [tilespmem:$0x1FF70];
	_ =	sdelay $0x4  }
0x5f: {  	[tilespmem:v25+s2+$0x0] =	vst.idx.msk vm11, v0;
	vm11 =	vnez.u8 v1  }
0x60: {  	v1 =	vld [tilespmem:$0x1FF80];
	_ =	sdelay $0x4  }
0x61: {  	[tilespmem:v27+s2+$0x0] =	vst.idx.msk vm11, v0;
	vm11 =	vnez.u8 v1  }
0x62: {  	v1 =	vld [tilespmem:$0x1FF90];
	_ =	sdelay $0x4  }
0x63: {  	[tilespmem:v29+s2+$0x0] =	vst.idx.msk vm11, v0;
	vm11 =	vnez.u8 v1  }
0x64: {  	v1 =	vld [tilespmem:$0x1FFA0];
	_ =	sdelay $0x4  }
0x65: {  	[tilespmem:v31+s2+$0x0] =	vst.idx.msk vm11, v0;
	vm11 =	vnez.u8 v1  }
0x66: {  	v1 =	vld [tilespmem:$0x1FFB0];
	_ =	sdelay $0x4  }
0x67: {  	[tilespmem:v56+s2+$0x0] =	vst.idx.msk vm11, v0;
	vm11 =	vnez.u8 v1  }
0x68: {  	v1 =	vld [tilespmem:$0x1FFC0];
	_ =	sdelay $0x4  }
0x69: {  	[tilespmem:v57+s2+$0x0] =	vst.idx.msk vm11, v0;
	vm11 =	vnez.u8 v1  }
0x6a: {  	v1 =	vld [tilespmem:$0x1FFD0];
	_ =	sdelay $0x4  }
0x6b: {  	[tilespmem:v58+s2+$0x0] =	vst.idx.msk vm11, v0;
	vm11 =	vnez.u8 v1  }
0x6c: {  	v1 =	vld [tilespmem:$0x1FFE0];
	_ =	sdelay $0x4  }
0x6d: {  	[tilespmem:v59+s2+$0x0] =	vst.idx.msk vm11, v0;
	vm11 =	vnez.u8 v1  }
0x6e: {  	v1 =	vld [tilespmem:$0x1FFF0];
	_ =	sdelay $0x4  }
0x6f: {  	[tilespmem:v60+s2+$0x0] =	vst.idx.msk vm11, v0;
	vm11 =	vnez.u8 v1;
	_ =	sdelay $0x5  }
0x70: {  	[tilespmem:v61+s2+$0x0] =	vst.idx.msk vm11, v0  }
0x71: {  	[tilespmem:v62+s2+$0x0] =	vst.idx.msk vm12, v0  }
0x72: {  	[tilespmem:v39+s2+$0x0] =	vst.idx.msk vm13, v0  }
0x73: {  	_ =	swait.ge [sflag:s13], $0xC350  }
0x74: {  	[sflag:s13] =	ssyncset.done $0x0  }
0x75: {  	[sflag:s13] =	ssyncadd.s32 $0xFFFF3CB0  }
0x76: {  	[tilespmem:v16+s11+$0x0] =	vst.idx.msk vm14, v0  }
0x77: {  	[tilespmem:v17+s11+$0x0] =	vst.idx.msk vm15, v0  }
0x78: {  	[tilespmem:v18+s11+$0x0] =	vst.idx.msk vm10, v0  }
0x79: {  	[tilespmem:v19+s11+$0x0] =	vst.idx.msk vm9, v0  }
0x7a: {  	[tilespmem:v20+s11+$0x0] =	vst.idx.msk vm8, v0  }
0x7b: {  	[tilespmem:v21+s11+$0x0] =	vst.idx.msk vm7, v0  }
0x7c: {  	[tilespmem:v15+s11+$0x0] =	vst.idx.msk vm6, v0  }
0x7d: {  	[tilespmem:v14+s11+$0x0] =	vst.idx.msk vm5, v0  }
0x7e: {  	[tilespmem:v13+s11+$0x0] =	vst.idx.msk vm4, v0  }
0x7f: {  	[tilespmem:v12+s11+$0x0] =	vst.idx.msk vm3, v0  }
0x80: {  	[tilespmem:v63+s11+$0x0] =	vst.idx.msk vm1, v0  }
0x81: {  	s17 =	simm.s32 $0x30D4;
	[tilespmem:v4+s11+$0x0] =	vst.idx.msk vm0, v0  }
.LBB2_4:
0x82: {  	[tilespmem:v6+s11+$0x0] =	vst.idx.msk vm2, v0;
	s15 =	sadd.s32 $0xC8, s15  }
0x83: {  	s16 =	sadd.s32 $0xC8, s16;
	v1 =	vld [tilespmem:s15+$0x58]  }
0x84: {  	v13 =	vld [tilespmem:s16+$0x58]  }
0x85: {  	v2 =	vld [tilespmem:s15+$0x50]  }
0x86: {  	v14 =	vld [tilespmem:s16+$0x50]  }
0x87: {  	v3 =	vld [tilespmem:s15+$0x40]  }
0x88: {  	v15 =	vld [tilespmem:s16+$0x40]  }
0x89: {  	v4 =	vld [tilespmem:s15+$0x30]  }
0x8a: {  	v5 =	vld [tilespmem:s15+$0x20]  }
0x8b: {  	v7 =	vld [tilespmem:s15+$0x10]  }
0x8c: {  	v9 =	vld [tilespmem:s15+$0x0]  }
0x8d: {  	v11 =	vld [tilespmem:s15+$0xFFFFFFF0]  }
0x8e: {  	v16 =	vld [tilespmem:s16+$0x30]  }
0x8f: {  	v10 =	vld [tilespmem:s16+$0xFFFFFFA0]  }
0x90: {  	v20 =	vld [tilespmem:s16+$0xFFFFFFB0]  }
0x91: {  	v22 =	vld [tilespmem:s16+$0xFFFFFFC0]  }
0x92: {  	v30 =	vimm.s32 $0x0;
	v23 =	vld [tilespmem:s16+$0xFFFFFFD0]  }
0x93: {  	v32 =	vimm.s32 $0x0;
	v34 =	vimm.s32 $0x0;
	v36 =	vimm.s32 $0x0;
	v25 =	vld [tilespmem:s16+$0xFFFFFFE0]  }
0x94: {  	v38 =	vimm.s32 $0x0;
	v39 =	vimm.s32 $0x0;
	v27 =	vld [tilespmem:s16+$0xFFFFFFF0];
	vm1 =	vlt.u32 v10, $0xC350  }
0x95: {  	v17 =	vld [tilespmem:s16+$0x20];
	v28 =	vadd.s32 $0xFFFF3CB0, v10;
	vm2 =	vlt.u32 v20, $0xC350;
	v30 =	vsel vm1, $0xFFFFFFFF, v30  }
0x96: {  	v19 =	vld [tilespmem:s16+$0x0];
	v53 =	vadd.s32 $0xFFFF3CB0, v20;
	vm3 =	vlt.u32 v22, $0xC350;
	v32 =	vsel vm2, $0xFFFFFFFF, v32;
	[tilespmem:$0x1FEA0] =	vst v30  }
0x97: {  	v29 =	vld [tilespmem:s15+$0xFFFFFFA0];
	vm4 =	vlt.u32 v23, $0xC350;
	v10 =	vnsel vm1, $0x0, v10;
	v34 =	vsel vm3, $0xFFFFFFFF, v34;
	[tilespmem:$0x1FEB0] =	vst v32  }
0x98: {  	v31 =	vld [tilespmem:s15+$0xFFFFFFB0];
	vm5 =	vlt.u32 v25, $0xC350;
	v20 =	vnsel vm2, $0x0, v20;
	v36 =	vsel vm4, $0xFFFFFFFF, v36;
	[tilespmem:$0x1FEC0] =	vst v34  }
0x99: {  	v58 =	vimm.s32 $0x0;
	v18 =	vld [tilespmem:s16+$0x10];
	vm0 =	vlt.u32 v27, $0xC350;
	v38 =	vsel vm5, $0xFFFFFFFF, v38;
	[tilespmem:$0x1FED0] =	vst v36  }
0x9a: {  	v59 =	vimm.s32 $0x0;
	v54 =	vld [tilespmem:s15+$0xFFFFFFC0];
	v33 =	vnsel vm3, $0x0, v22;
	v39 =	vsel vm0, $0xFFFFFFFF, v39;
	[tilespmem:$0x1FEE0] =	vst v38  }
0x9b: {  	v35 =	vld [tilespmem:s15+$0xFFFFFFD0];
	v26 =	vadd.s32 $0xFFFF3CB0, v19;
	v55 =	vadd.s32 $0xFFFF3CB0, v23;
	v23 =	vnsel vm4, $0x0, v23;
	[tilespmem:$0x1FEF0] =	vst v39  }
0x9c: {  	v37 =	vld [tilespmem:s15+$0xFFFFFFE0];
	v57 =	vnsel vm0, $0x0, v27;
	[tilespmem:v10+s2+$0x0] =	vst.idx.msk vm1, v29;
	vm1 =	vmmov vm0;
	vm0 =	vlt.u32 v19, $0xC350  }
0x9d: {  	v56 =	vadd.s32 $0xFFFF3CB0, v25;
	v25 =	vnsel vm5, $0x0, v25;
	[tilespmem:v20+s2+$0x0] =	vst.idx.msk vm2, v31;
	v39 =	vsel vm0, $0xFFFFFFFF, v58  }
0x9e: {  	v19 =	vnsel vm0, $0x0, v19;
	vm2 =	vmmov vm0;
	vm0 =	vlt.u32 v18, $0xC350;
	[tilespmem:$0x1FF00] =	vst v39  }
0x9f: {  	v40 =	vimm.s32 $0x0;
	v24 =	vadd.s32 $0xFFFF3CB0, v18;
	[tilespmem:v33+s2+$0x0] =	vst.idx.msk vm3, v54;
	v39 =	vsel vm0, $0xFFFFFFFF, v59  }
0xa0: {  	v18 =	vnsel vm0, $0x0, v18;
	vm3 =	vmmov vm0;
	vm0 =	vlt.u32 v17, $0xC350;
	[tilespmem:$0x1FF10] =	vst v39  }
0xa1: {  	v61 =	vimm.s32 $0x0;
	[tilespmem:v23+s2+$0x0] =	vst.idx.msk vm4, v35;
	v40 =	vsel vm0, $0xFFFFFFFF, v40  }
0xa2: {  	v60 =	vnsel vm0, $0x0, v17;
	vm10 =	vmmov vm0;
	vm0 =	vlt.u32 v16, $0xC350;
	[tilespmem:$0x1FF20] =	vst v40  }
0xa3: {  	[tilespmem:v25+s2+$0x0] =	vst.idx.msk vm5, v37;
	v40 =	vsel vm0, $0xFFFFFFFF, v61  }
0xa4: {  	v62 =	vimm.s32 $0x0;
	vm11 =	vlt.u32 v15, $0xC350;
	[tilespmem:$0x1FF30] =	vst v40  }
0xa5: {  	v21 =	vadd.s32 $0xFFFF3CB0, v16;
	v16 =	vnsel vm0, $0x0, v16;
	v40 =	vsel vm11, $0xFFFFFFFF, v62;
	[tilespmem:v57+s2+$0x0] =	vst.idx.msk vm1, v11  }
0xa6: {  	v12 =	vadd.s32 $0xFFFF3CB0, v15;
	vm12 =	vlt.u32 v14, $0xC350;
	v15 =	vnsel vm11, $0x0, v15;
	[tilespmem:$0x1FF40] =	vst v40  }
0xa7: {  	v8 =	vadd.s32 $0xFFFF3CB0, v14;
	vm14 =	vlt.u32 v13, $0xC350;
	v14 =	vnsel vm12, $0x0, v14;
	[tilespmem:v19+s2+$0x0] =	vst.idx.msk vm2, v9  }
0xa8: {  	v6 =	vadd.s32 $0xFFFF3CB0, v13;
	v13 =	vnsel vm14, $0x0, v13;
	[tilespmem:v18+s2+$0x0] =	vst.idx.msk vm3, v7  }
0xa9: {  	vm13 =	vlt.u32 v28, $0xC350;
	[tilespmem:v60+s2+$0x0] =	vst.idx.msk vm10, v5  }
0xaa: {  	vm15 =	vlt.u32 v53, $0xC350;
	v22 =	vadd.s32 $0xFFFF3CB0, v22;
	v28 =	vnsel vm13, $0x0, v28;
	[tilespmem:v16+s2+$0x0] =	vst.idx.msk vm0, v4  }
0xab: {  	v30 =	vnsel vm15, $0x0, v53;
	vm10 =	vlt.u32 v22, $0xC350;
	[tilespmem:v15+s2+$0x0] =	vst.idx.msk vm11, v3  }
0xac: {  	s18 =	smov.u32 s17;
	vm9 =	vlt.u32 v55, $0xC350;
	v22 =	vnsel vm10, $0x0, v22;
	[tilespmem:v14+s2+$0x0] =	vst.idx.msk vm12, v2  }
0xad: {  	s19 =	sadd.s32 s18, s6;
	vm8 =	vlt.u32 v56, $0xC350;
	v27 =	vadd.s32 $0xFFFF3CB0, v27;
	v34 =	vnsel vm9, $0x0, v55;
	[tilespmem:v13+s2+$0x0] =	vst.idx.msk vm14, v1  }
0xae: {  	v36 =	vnsel vm8, $0x0, v56;
	vm7 =	vlt.u32 v27, $0xC350;
	[hbm4b:s19+s2] =	stream.linear.scatter [tilespmem:s2], [sflag:$0x1], $0xC350, $0x38;
	[tilespmem:$0x1B8A0] =	vst v63  }
0xaf: {  	vm6 =	vlt.u32 v26, $0xC350;
	v27 =	vnsel vm7, $0x0, v27;
	[tilespmem:v28+s11+$0x0] =	vst.idx.msk vm13, v29  }
0xb0: {  	v26 =	vnsel vm6, $0x0, v26;
	v17 =	vadd.s32 $0xFFFF3CB0, v17;
	vm5 =	vlt.u32 v24, $0xC350;
	[tilespmem:v30+s11+$0x0] =	vst.idx.msk vm15, v31  }
0xb1: {  	vm4 =	vlt.u32 v17, $0xC350;
	v24 =	vnsel vm5, $0x0, v24;
	[tilespmem:v22+s11+$0x0] =	vst.idx.msk vm10, v54  }
0xb2: {  	v17 =	vnsel vm4, $0x0, v17;
	vm3 =	vlt.u32 v21, $0xC350;
	[tilespmem:v34+s11+$0x0] =	vst.idx.msk vm9, v35  }
0xb3: {  	vm1 =	vlt.u32 v12, $0xC350;
	v21 =	vnsel vm3, $0x0, v21;
	[tilespmem:v36+s11+$0x0] =	vst.idx.msk vm8, v37  }
0xb4: {  	v63 =	vnsel vm1, $0x0, v12;
	vm0 =	vlt.u32 v8, $0xC350;
	[tilespmem:v27+s11+$0x0] =	vst.idx.msk vm7, v11  }
0xb5: {  	vm2 =	vlt.u32 v6, $0xC350;
	v8 =	vnsel vm0, $0x0, v8;
	[tilespmem:v26+s11+$0x0] =	vst.idx.msk vm6, v9  }
0xb6: {  	v6 =	vnsel vm2, $0x0, v6;
	[tilespmem:v24+s11+$0x0] =	vst.idx.msk vm5, v7  }
0xb7: {  	[tilespmem:v17+s11+$0x0] =	vst.idx.msk vm4, v5  }
0xb8: {  	[tilespmem:v21+s11+$0x0] =	vst.idx.msk vm3, v4  }
0xb9: {  	[tilespmem:v63+s11+$0x0] =	vst.idx.msk vm1, v3  }
0xba: {  	[tilespmem:v8+s11+$0x0] =	vst.idx.msk vm0, v2  }
0xbb: {  	s18 =	sadd.s32 s18, s7;
	[tilespmem:v6+s11+$0x0] =	vst.idx.msk vm2, v1  }
0xbc: {  	[hbm4b:s18+s2] =	stream.linear.scatter [tilespmem:s11], [sflag:$0x2], $0xC350, $0x38;
	[tilespmem:$0x1B8A0] =	vst v63  }
0xbd: {  	_ =	swait.ge [sflag:s12], $0xC350  }
0xbe: {  	v1 =	vld [tilespmem:$0x1FEA0];
	_ =	sdelay $0x4  }
0xbf: {  	vm11 =	vnez.u8 v1  }
0xc0: {  	v1 =	vld [tilespmem:$0x1FEB0];
	_ =	sdelay $0x2  }
0xc1: {  	[sflag:s12] =	ssyncset.done $0x0  }
0xc2: {  	[sflag:s12] =	ssyncadd.s32 $0xFFFF3CB0  }
0xc3: {  	[tilespmem:v10+s2+$0x0] =	vst.idx.msk vm11, v0;
	vm11 =	vnez.u8 v1  }
0xc4: {  	v1 =	vld [tilespmem:$0x1FEC0];
	_ =	sdelay $0x4  }
0xc5: {  	[tilespmem:v20+s2+$0x0] =	vst.idx.msk vm11, v0;
	vm11 =	vnez.u8 v1  }
0xc6: {  	v1 =	vld [tilespmem:$0x1FED0];
	_ =	sdelay $0x4  }
0xc7: {  	[tilespmem:v33+s2+$0x0] =	vst.idx.msk vm11, v0;
	vm11 =	vnez.u8 v1  }
0xc8: {  	v1 =	vld [tilespmem:$0x1FEE0];
	_ =	sdelay $0x4  }
0xc9: {  	[tilespmem:v23+s2+$0x0] =	vst.idx.msk vm11, v0;
	vm11 =	vnez.u8 v1  }
0xca: {  	v1 =	vld [tilespmem:$0x1FEF0];
	_ =	sdelay $0x4  }
0xcb: {  	[tilespmem:v25+s2+$0x0] =	vst.idx.msk vm11, v0;
	vm11 =	vnez.u8 v1  }
0xcc: {  	v1 =	vld [tilespmem:$0x1FF00];
	_ =	sdelay $0x4  }
0xcd: {  	[tilespmem:v57+s2+$0x0] =	vst.idx.msk vm11, v0;
	vm11 =	vnez.u8 v1  }
0xce: {  	v1 =	vld [tilespmem:$0x1FF10];
	_ =	sdelay $0x4  }
0xcf: {  	[tilespmem:v19+s2+$0x0] =	vst.idx.msk vm11, v0;
	vm11 =	vnez.u8 v1  }
0xd0: {  	v1 =	vld [tilespmem:$0x1FF20];
	_ =	sdelay $0x4  }
0xd1: {  	[tilespmem:v18+s2+$0x0] =	vst.idx.msk vm11, v0;
	vm11 =	vnez.u8 v1  }
0xd2: {  	v1 =	vld [tilespmem:$0x1FF30];
	_ =	sdelay $0x4  }
0xd3: {  	[tilespmem:v60+s2+$0x0] =	vst.idx.msk vm11, v0;
	vm11 =	vnez.u8 v1  }
0xd4: {  	v1 =	vld [tilespmem:$0x1FF40];
	_ =	sdelay $0x4  }
0xd5: {  	[tilespmem:v16+s2+$0x0] =	vst.idx.msk vm11, v0;
	vm11 =	vnez.u8 v1;
	_ =	sdelay $0x5  }
0xd6: {  	[tilespmem:v15+s2+$0x0] =	vst.idx.msk vm11, v0  }
0xd7: {  	[tilespmem:v14+s2+$0x0] =	vst.idx.msk vm12, v0  }
0xd8: {  	[tilespmem:v13+s2+$0x0] =	vst.idx.msk vm14, v0  }
0xd9: {  	_ =	swait.ge [sflag:s13], $0xC350  }
0xda: {  	[sflag:s13] =	ssyncset.done $0x0  }
0xdb: {  	[sflag:s13] =	ssyncadd.s32 $0xFFFF3CB0  }
0xdc: {  	[tilespmem:v28+s11+$0x0] =	vst.idx.msk vm13, v0  }
0xdd: {  	[tilespmem:v30+s11+$0x0] =	vst.idx.msk vm15, v0  }
0xde: {  	[tilespmem:v22+s11+$0x0] =	vst.idx.msk vm10, v0  }
0xdf: {  	[tilespmem:v34+s11+$0x0] =	vst.idx.msk vm9, v0  }
0xe0: {  	[tilespmem:v36+s11+$0x0] =	vst.idx.msk vm8, v0  }
0xe1: {  	[tilespmem:v27+s11+$0x0] =	vst.idx.msk vm7, v0  }
0xe2: {  	p0 =	sne.s32 s17, $0x5E9AC;
	[tilespmem:v26+s11+$0x0] =	vst.idx.msk vm6, v0  }
.Ltmp1:
0xe3: {  	[tilespmem:v24+s11+$0x0] =	vst.idx.msk vm5, v0;
	(pc) =	sbr.rel @p0 .LBB2_4-.Ltmp1, $4  }
0xe4: {  	[tilespmem:v17+s11+$0x0] =	vst.idx.msk vm4, v0  }
0xe5: {  	[tilespmem:v21+s11+$0x0] =	vst.idx.msk vm3, v0  }
0xe6: {  	[tilespmem:v63+s11+$0x0] =	vst.idx.msk vm1, v0  }
0xe7: {  	s17 =	sadd.s32 $0x30D4, s17;
	[tilespmem:v8+s11+$0x0] =	vst.idx.msk vm0, v0  }
0xe8: {  	s14 =	sadd.s32 $0x1, s14  }
0xe9: {  	p0 =	sne.s32 s14, s5  }
.Ltmp2:
0xea: {  	_ = 	snop;
	(pc) =	sbr.rel @p0 .LBB2_1-.Ltmp2, $2  }
0xeb: {  	_ =	sdelay $0x2  }
0xec: {  	[tilespmem:v6+s11+$0x0] =	vst.idx.msk vm2, v0  }
0xed: {  	_ =	sfence.sel $0x180000  }
0xee: {  	[bflag:$0x0] =	sbarrier.arrive $0xFFFF  }
0xef: {  	p0 =	sne.s32 s0, $0x0;
	_ =	strace $0x90000047  }
0xf0: {  	s0 =	sadd.s32 @!p0 $0x100000, s1;
	[bflag:$0x2] =	sbarrier.arrive $0xFFFF  }
0xf1: {  	[sflag:s0] =	ssyncadd.tile.s32 @!p0 $0x1;
	_ =	shalt  }
.Lfunc_end2:
_tile_overlayer_lowered:
.L_overlay_start_2:
0xf2: {  	(tag) =	ssettag $0x2  }
0xf3: {  	s0 =	rddreg [dreg:$0x0];
	s2 =	stileid.u32  }
0xf4: {  	s1 =	rddreg [dreg:$0x1];
	p0 =	sne.s32 s2, $0x0  }
0xf5: {  	s3 =	rddreg [dreg:$0x2];
	[bflag:$0x3] =	sbarrier.arrive $0xFFFF;
	s2 =	simm.s32 @!p0 $0x1C03  }
0xf6: {  	[timem:s3], [sflag:s2] =	dma.local @!p0 [hbm:s0], s1  }
0xf7: {  	s0 =	simm.s32 @!p0 $0x3  }
0xf8: {  	_ =	swait.ge @!p0 [sflag:s0], s1  }
0xf9: {  	s1 =	ssub.s32 @!p0 $0x0, s1;
	[sflag:s0] =	ssyncset.done @!p0 $0x0  }
0xfa: {  	[sflag:s0] =	ssyncadd.s32 @!p0 s1  }
0xfb: {  	[bflag:$0x3] =	sbarrier.arrive $0xFFFF  }
0xfc: {  	_ =	shalt  }

// kernel: sparse-core-data-format-call.cloned.1.call-start
scs
called_computation_lowered:
.L_overlay_start_0:
0x0: {  	s2 =	sld [smem:$0x3FD9]  }
0x1: {  	s3 =	sld [smem:$0x3FFE];
	_ =	sdelay $0x1  }
0x2: {  	s1 =	srdreg.scid  }
0x3: {  	s0 =	sand.u32 $0x1, s1  }
0x4: {  	s15 =	sshll.u32 s0, $0xA;
	s2 =	sadd.s32 s3, s2  }
0x5: {  	s2 =	sadd.s32 s2, s15  }
0x6: {  	[smem:$0x3FC6] =	sst s2  }
0x7: {  	_ = 	snop  }
0x8: {  	s2 =	sld [smem:$0x3FD0];
	_ =	sdelay $0x2  }
0x9: {  	s16 =	simm.s32 $0xA;
	s4 =	simm.s32 $0x10  }
0xa: {  	[smem:s4], [sflag:s16] =	dma.local [hbm:s2], $0x1  }
0xb: {  	_ =	swait.eq [sflag:s16], $0x1  }
0xc: {  	[sflag:s16] =	ssyncset.done $0x0  }
0xd: {  	[sflag:s16] =	ssyncadd.s32 $0xFFFFFFFF  }
0xe: {  	s17 =	sld [smem:$0x10];
	(tm) =	ssettm $0x1  }
0xf: {  	s18 =	sld [smem:$0x3FFB];
	_ =	sdelay $0x3  }
0x10: {  	_ =	strace s18  }
0x11: {  	s3 =	sld [smem:$0x3FFC];
	_ =	sdelay $0x3  }
0x12: {  	_ =	strace s3  }
0x13: {  	s3 =	sld [smem:$0x3FFD];
	_ =	sdelay $0x3  }
0x14: {  	_ =	strace s3  }
0x15: {  	_ =	strace $0x8FFFFFFF  }
0x16: {  	s19 =	sld [smem:$0x3FDB];
	_ =	sdelay $0x1  }
0x17: {  	s20 =	simm.s32 $_scs_section_size  }
0x18: {  	s5 =	simm.s32 $_size__tile_overlayer_lowered;
	s6 =	simm.s32 $_tile_overlayer_lowered  }
0x19: {  	s23 =	simm.s32 $0x1BFF;
	s22 =	sshll.u32 s6, $0x1;
	s3 =	sadd.s32 s20, s19  }
0x1a: {  	s7 =	simm.s32 $0x0;
	s21 =	sshll.u32 s5, $0x1;
	s5 =	sadd.s32 s22, s3  }
0x1b: {  	[timem:s7], [sflag:s23] =	dma.local [hbm:s5], s21  }
0x1c: {  	_ =	swait.ge [sflag:s23], s21  }
0x1d: {  	s4 =	ssub.s32 $0x0, s21;
	[sflag:s23] =	ssyncset.done $0x0  }
0x1e: {  	[sflag:s23] =	ssyncadd.s32 s4;
	_ =	sdelay $0x1  }
0x1f: {  	s24 =	simm.s32 $0x1B8B  }
0x20: {  	_ =	swait.ge [sflag:s24], $0x1  }
0x21: {  	[sflag:s24] =	ssyncset.done $0x0  }
0x22: {  	s26 =	simm.s32 $0x1B8E;
	s25 =	sld [smem:$0x3FFE];
	[sflag:s24] =	ssyncadd.s32 $0xFFFFFFFF  }
0x23: {  	s27 =	simm.s32 $execute0_lowered;
	[smem:$0x3FD2] =	sst s26  }
0x24: {  	s5 =	sshll.u32 s27, $0x1;
	_ =	strace $0x80000049;
	[dreg:$0x1] =	wrdreg $0xFFFFFFFF  }
0x25: {  	s28 =	simm.s32 $_size_execute0_lowered;
	s3 =	sadd.s32 s3, s5;
	[dreg:$0x0] =	wrdreg $0x0  }
0x26: {  	s5 =	sshll.u32 s28, $0x1;
	[dreg:$0x2] =	wrdreg s3  }
0x27: {  	[dreg:$0x3] =	wrdreg s5  }
0x28: {  	[dreg:$0x4] =	wrdreg $0xC0  }
0x29: {  	_ =	task [dreg:s7], $0x5FFFF  }
0x2a: {  	[dreg:$0x1] =	wrdreg $0xFFFFFFFF  }
0x2b: {  	[dreg:$0x0] =	wrdreg $0x60  }
0x2c: {  	[dreg:$0x2] =	wrdreg s25  }
0x2d: {  	[dreg:$0x3] =	wrdreg s17  }
0x2e: {  	[dreg:$0x4] =	wrdreg $0x9  }
0x2f: {  	_ =	task.clear_ibuf [dreg:s7], $0x5FFFF;
	_ =	strace $0x90000049  }
0x30: {  	s29 =	simm.s32 $0x9;
	_ =	strace $0x8000004B  }
0x31: {  	_ =	swait.ge [sflag:s29], $0x1  }
0x32: {  	[sflag:s29] =	ssyncadd.s32 $0xFFFFFFFF  }
0x33: {  	_ =	strace $0x9000004B  }
0x34: {  	_ =	sfence  }
0x35: {  	s30 =	sld [smem:$0x0];
	_ =	sdelay $0x2  }
0x36: {  	s31 =	sshll.u32 s1, $0xD;
	s1 =	sshrl.u32 s1, $0x2  }
0x37: {  	s3 =	sand.u32 $0x4000, s31;
	s1 =	sadd.s32 s1, s30  }
0x38: {  	s0 =	sor.u32 s3, s0;
	s1 =	sshll.u32 s1, $0x11  }
0x39: {  	s0 =	sor.u32 s1, s0  }
0x3a: {  	s0 =	sadd.s32 $0x8F2B, s0  }
0x3b: {  	[sflag:s0] =	ssyncadd.remote.s32 $0x1  }
0x3c: {  	_ =	sfence.sel $0xFFFF  }
0x3d: {  	[dreg:$0x0] =	wrdreg $0xFFFFFFFF;
	(pc) =	sbr.abs _section_cstart, $3  }
0x3e: {  	[dreg:$0x1] =	wrdreg $0xFFFFFFFF  }
0x3f: {  	_ =	task.clear_ibuf [dreg:s7], $0x2FFFF;
	_ =	strace $0x9FFFFFFF  }
0x40: {  	(tm) =	ssettm $0x7FFFFFFF  }
0x41: {  	_ =	shalt  }
tec
execute0_lowered:
.L_overlay_start_1:
0x0: {  	(tag) =	ssettag $0x1  }
0x1: {  	s0 =	stileid.u32  }
0x2: {  	s2 =	srdreg.scid;
	s7 =	rddreg [dreg:$0x0]  }
0x3: {  	s6 =	simm.s32 $0x1;
	s31 =	simm.s32 $0x2;
	s16 =	simm.s32 $0x0  }
0x4: {  	s9 =	simm.s32 $0x2000;
	s15 =	simm.s32 $0x0;
	s10 =	simm.s32 $0x0  }
0x5: {  	s11 =	simm.s32 $0x0;
	s14 =	simm.s32 $0x0;
	s1 =	sshll.u32 s0, $0x7  }
0x6: {  	s3 =	sshll.u32 s0, $0x4;
	s2 =	sshll.u32 s2, $0x8;
	s1 =	sand.u32 $0x380, s1  }
0x7: {  	s7 =	sadd.s32 $0x8000, s7;
	s2 =	sor.u32 s3, s2;
	s5 =	ssub.s32 $0x400, s1  }
0x8: {  	s3 =	rddreg [dreg:$0x1];
	s4 =	sand.u32 $0x180, s2;
	s29 =	sand.u32 $0x380, s5  }
0x9: {  	s30 =	ssub.s32 $0x18680, s4;
	s5 =	sshrl.u32 s5, $0xA;
	p0 =	sne.s32 s29, $0x0  }
.Ltmp0:
0xa: {  	s8 =	sshrl.u32 s30, $0x9;
	s6 =	simm.s32 @!p0 $0x0;
	(pc) =	sbr.rel .LBB1_1-.Ltmp0, $4  }
0xb: {  	s2 =	rddreg [dreg:$0x2];
	s8 =	sadd.s32 $0x1, s8;
	s6 =	sadd.s32 s6, s5  }
0xc: {  	_ =	strace $0x8000004A;
	s5 =	simm.s32 $0x1;
	s6 =	smul.u32 s6, s8  }
0xd: {  	s13 =	smov.u32 s1;
	s12 =	smov.u32 s4;
	[sflag:s5] =	ssyncpa.u1 $0x0  }
0xe: {  	p0 =	por $0x0, $0x0;
	[sflag:s31] =	ssyncpa.u1 $0x0;
	s8 =	sadd.s32 $0x1, s6  }
.LBB1_4:
0xf: {  	s21 =	sshra.s32 s21, $0x2;
	s27 =	sshll.u32 s10, $0xA;
	s22 =	sshll.u32 s11, $0x3  }
0x10: {  	s23 =	sshll.u32 s10, $0x7;
	s24 =	sand.u32 $0x78, s11;
	p1 =	sgt.s32 s10, $0x18620  }
0x11: {  	s25 =	sshra.s32 s10, $0x1F;
	s26 =	sshra.s32 s11, $0x1F;
	s20 =	sadd.s32 s21, s20  }
0x12: {  	v5 =	vld [tilespmem:s18+$0xFFFFFFD0];
	[tilespmem:s19+$0x2040 ss:$0x81] =	vst.msk $0xffff, v4;
	s21 =	sand.u32 $0xFFFFE000, s27;
	s22 =	sand.u32 $0xFFFFFC00, s22;
	s28 =	sand.u32 $0x380, s23  }
0x13: {  	v58 =	vld [tilespmem:s18+$0xFFFFFFE0];
	[tilespmem:s19+$0x2850 ss:$0x81] =	vst.msk $0xffff, v3;
	s23 =	smov.u32 s10;
	s30 =	sand.u32 s25, s10;
	s25 =	smov.u32 s11  }
0x14: {  	v59 =	vld [tilespmem:s18+$0xFFFFFFF0];
	[tilespmem:s19+$0x3060 ss:$0x81] =	vst.msk $0xffff, v2;
	s31 =	sand.u32 s26, s11;
	s21 =	sadd.s32 s22, s21;
	s22 =	sor.u32 s24, s28  }
0x15: {  	v60 =	vld [tilespmem:s18+$0x0];
	[tilespmem:s19+$0x0 ss:$0x81] =	vst.msk $0xffff, v1;
	s23 =	simm.s32 @!p1 $0x18620;
	p1 =	sgt.s32 s11, $0x380;
	s21 =	sshrl.u32 s21, $0xA  }
0x16: {  	v61 =	vld [tilespmem:s18+$0x10];
	[tilespmem:s20+$0x3870 ss:$0x81] =	vst.msk $0xffff, v0;
	s19 =	ssub.s32 s23, s30;
	s25 =	simm.s32 @!p1 $0x380;
	s29 =	smulhi.u32 $0x53E2D7, s21  }
0x17: {  	v62 =	vld [tilespmem:s18+$0x20];
	s23 =	ssub.s32 s25, s31;
	s26 =	sadd.s32 $0xFFFE79E0, s19;
	s19 =	ssub.s32 $0x186A0, s19;
	[tilespmem:s20+$0x810 ss:$0x81] =	vst.msk $0xffff, v5  }
0x18: {  	v63 =	vld [tilespmem:s18+$0xFFFFFFC0];
	[tilespmem:s20+$0x1020 ss:$0x81] =	vst.msk $0xffff, v58;
	p1 =	sgt.s32 s26, $0x7F;
	s28 =	sadd.s32 $0xFFFFFC80, s23;
	s24 =	sshrl.u32 s29, $0x7  }
0x19: {  	[tilespmem:s20+$0x1830 ss:$0x81] =	vst.msk $0xffff, v59;
	s23 =	ssub.s32 $0x400, s23;
	p2 =	sgt.s32 s28, $0x7F;
	s27 =	smul.u32 $0x186A0, s24  }
0x1a: {  	s30 =	sand.u32 $0x7, s11;
	[tilespmem:s20+$0x2040 ss:$0x81] =	vst.msk $0xffff, v60;
	s19 =	simm.s32 @p1 $0x0;
	s23 =	simm.s32 @p2 $0x0  }
0x1b: {  	[tilespmem:s20+$0x2850 ss:$0x81] =	vst.msk $0xffff, v61;
	s29 =	sshrl.u32 s22, $0x3;
	s19 =	smul.u32 s23, s19;
	s18 =	ssub.s32 s21, s27  }
0x1c: {  	[tilespmem:s20+$0x3060 ss:$0x81] =	vst.msk $0xffff, v62;
	s22 =	sshll.u32 s30, $0x12;
	s21 =	sadd.s32 s3, s29;
	s18 =	sshll.u32 s18, $0x7  }
0x1d: {  	[tilespmem:s20+$0x0 ss:$0x81] =	vst.msk $0xffff, v63;
	s31 =	sor.u32 $0x400, s22;
	s19 =	sand.u32 $0x3FFFFFFF, s19;
	s18 =	sadd.s32 s18, s21  }
0x1e: {  	[hbm4b:s18+s31] =	stream.strided.scatter [tilespmem:s17], [sflag:$0x2], s19, s9, s31, $0x20;
	[tilespmem:$0x10100] =	vst v63  }
.LBB1_5:
0x1f: {  	p1 =	slt.u32 s14, $0x2  }
0x20: {  	s18 =	smov.u32 s16;
	p2 =	sgt.s32 @!p1 s16, $0x18620;
	s17 =	sshra.s32 @!p1 s16, $0x1F  }
0x21: {  	p3 =	sgt.s32 @!p1 s15, $0x380;
	s19 =	sshra.s32 @!p1 s15, $0x1F;
	p2 =	por !p2, p1  }
0x22: {  	s16 =	sand.u32 @!p1 s17, s16;
	p3 =	por !p3, p1;
	s17 =	smov.u32 s15  }
0x23: {  	s15 =	sand.u32 @!p1 s19, s15;
	s18 =	simm.s32 @p2 $0x18620;
	s17 =	simm.s32 @p3 $0x380  }
0x24: {  	s16 =	ssub.s32 @!p1 s18, s16;
	s15 =	ssub.s32 @!p1 s17, s15  }
0x25: {  	s19 =	smov.u32 s13;
	s17 =	sadd.s32 @!p1 $0xFFFE79E0, s16;
	s18 =	sadd.s32 @!p1 $0xFFFFFC80, s15  }
0x26: {  	s16 =	ssub.s32 @!p1 $0x186A0, s16;
	p2 =	sgt.s32 @!p1 s17, $0x7F;
	p3 =	sgt.s32 @!p1 s18, $0x7F  }
0x27: {  	s15 =	ssub.s32 @!p1 $0x400, s15;
	p2 =	por !p2, p1;
	p3 =	por !p3, p1  }
0x28: {  	s17 =	sadd.s32 $0x200, s12;
	s16 =	simm.s32 @!p2 $0x0;
	s15 =	simm.s32 @!p3 $0x0  }
0x29: {  	p2 =	sgt.s32 s17, $0x1869F;
	s15 =	smul.u32 @!p1 s15, s16;
	s16 =	sadd.s32 $0x400, s13  }
0x2a: {  	s19 =	smov.u32 @p2 s16  }
0x2b: {  	s17 =	smov.u32 @p2 s4;
	p2 =	sgt.s32 s19, $0x3FF  }
0x2c: {  	s19 =	smov.u32 @p2 s1;
	p2 =	sne.s32 s14, s8  }
.Ltmp1:
0x2d: {  	p0 =	por !p0, !p0;
	s18 =	simm.s32 @!p1 $0x2;
	(pc) =	sbr.rel @!p2 .LBB1_6-.Ltmp1, $4  }
0x2e: {  	s16 =	smov.u32 s10;
	s10 =	smov.u32 s12;
	s15 =	sand.u32 @!p1 $0x3FFFFFFF, s15  }
0x2f: {  	s12 =	smov.u32 s17;
	_ =	swait.ge @!p1 [sflag:s18], s15;
	s20 =	ssub.s32 @!p1 $0x0, s15  }
0x30: {  	s15 =	smov.u32 s11;
	s14 =	sadd.s32 $0x1, s14;
	[sflag:s18] =	ssyncset.done @!p1 $0x0  }
0x31: {  	s11 =	smov.u32 s13;
	s13 =	smov.u32 s19;
	[sflag:s18] =	ssyncadd.s32 @!p1 s20  }
.LBB1_1:
0x32: {  	p1 =	sge.u32 s14, s6  }
0x33: {  	s17 =	sshrl.u32 @!p1 s13, $0x3  }
0x34: {  	s18 =	sshll.u32 @!p1 s12, $0x3;
	s17 =	smul.u32 @!p1 $0xC3800, s17  }
0x35: {  	s19 =	sshll.u32 @!p1 s13, $0x7;
	s18 =	sand.u32 @!p1 $0xFFFFFC00, s18  }
0x36: {  	s17 =	sadd.s32 @!p1 s17, s18;
	s18 =	sand.u32 @!p1 $0x380, s19  }
0x37: {  	s19 =	sand.u32 @!p1 $0x7F, s12;
	s17 =	sor.u32 @!p1 s18, s17  }
0x38: {  	s18 =	sor.u32 @!p1 s19, s17  }
0x39: {  	s19 =	smulhi.u32 @!p1 $0xA79C7B17, s18;
	_ =	sdelay $0x1  }
0x3a: {  	s17 =	smulhi.u32 @!p1 $0xA79C7B17, s17;
	s19 =	sshrl.u32 @!p1 s19, $0x10  }
0x3b: {  	s19 =	smul.u32 @!p1 $0x18700, s19  }
0x3c: {  	s31 =	sadd.s32 $0xFFFFFFFF, s14;
	s20 =	sxor.u32 @!p1 $0xFFFFFFFF, s14;
	s17 =	sshrl.u32 @!p1 s17, $0x10  }
0x3d: {  	s20 =	sshll.u32 @!p1 s20, $0xE;
	s17 =	sand.u32 @!p1 $0x3FF, s17;
	s18 =	ssub.s32 @!p1 s18, s19  }
0x3e: {  	s17 =	smul.u32 @!p1 $0x30E0, s17;
	s19 =	sshrl.u32 @!p1 s18, $0x3;
	s18 =	sand.u32 @!p1 $0x7, s18  }
0x3f: {  	s20 =	sand.u32 @!p1 $0x4000, s20;
	s19 =	sadd.s32 @!p1 s7, s19;
	s18 =	sshll.u32 @!p1 s18, $0x12  }
0x40: {  	s17 =	sadd.s32 @!p1 s17, s19;
	s18 =	sor.u32 @!p1 $0x400, s18;
	s19 =	simm.s32 @!p1 $0xC3800  }
0x41: {  	[tilespmem:s20], [sflag:$0x1] =	stream.strided.gather @!p1 [hbm4b:s17+s18], $0x4000, s19, s18, $0x38;
	[tilespmem:$0x10100] =	vst v63  }
0x42: {  	p1 =	sge.u32 s31, s6  }
.Ltmp2:
0x43: {  	_ = 	snop;
	(pc) =	sbr.rel @p1 .LBB1_5-.Ltmp2, $1  }
0x44: {  	_ =	sdelay $0x3  }
0x45: {  	s17 =	simm.s32 $0x1  }
0x46: {  	_ =	swait.ge [sflag:s5], $0x4000;
	s17 =	simm.s32 @!p0 $0x0  }
0x47: {  	[sflag:s5] =	ssyncset.done $0x0;
	s18 =	sshll.u32 s17, $0xE  }
0x48: {  	[sflag:s5] =	ssyncadd.s32 $0xFFFFC000;
	s18 =	sor.u32 $0x40, s18  }
0x49: {  	s17 =	smul.u32 $0x10200, s17;
	v0 =	vld [tilespmem:s18+$0x30]  }
0x4a: {  	v1 =	vld [tilespmem:s18+$0xFFFFFFD0]  }
0x4b: {  	s17 =	sshrl.u32 s17, $0x2;
	v5 =	vld [tilespmem:s18+$0xFFFFFFE0]  }
0x4c: {  	v6 =	vld [tilespmem:s18+$0xFFFFFFF0];
	s20 =	sor.u32 $0x8000, s17  }
0x4d: {  	s31 =	sand.u32 $0x1, s14;
	v4 =	vld [tilespmem:s18+$0x0];
	s19 =	sadd.s32 $0x0, s20  }
0x4e: {  	v3 =	vld [tilespmem:s18+$0x10];
	s17 =	smul.u32 $0x10200, s31;
	[tilespmem:s19+$0x3870 ss:$0x81] =	vst.msk $0xffff, v0  }
0x4f: {  	v2 =	vld [tilespmem:s18+$0x20];
	[tilespmem:s19+$0x810 ss:$0x81] =	vst.msk $0xffff, v1  }
0x50: {  	s17 =	sshrl.u32 s17, $0x2;
	v1 =	vld [tilespmem:s18+$0xFFFFFFC0];
	[tilespmem:s19+$0x1020 ss:$0x81] =	vst.msk $0xffff, v5;
	s18 =	sadd.s32 $0x80, s18  }
0x51: {  	s21 =	simm.s32 $0x4;
	s22 =	simm.s32 $0x8;
	s17 =	sor.u32 $0x8000, s17;
	[tilespmem:s19+$0x1830 ss:$0x81] =	vst.msk $0xffff, v6;
	v0 =	vld [tilespmem:s18+$0x30]  }
.LBB1_3:
0x52: {  	p1 =	sne.s32 s22, $0x1FC;
	v5 =	vld [tilespmem:s18+$0xFFFFFFD0];
	[tilespmem:s19+$0x2040 ss:$0x81] =	vst.msk $0xffff, v4  }
0x53: {  	v6 =	vld [tilespmem:s18+$0xFFFFFFE0];
	[tilespmem:s19+$0x2850 ss:$0x81] =	vst.msk $0xffff, v3  }
0x54: {  	s23 =	sshra.s32 s21, $0x2;
	s21 =	smov.u32 s22;
	v7 =	vld [tilespmem:s18+$0xFFFFFFF0];
	[tilespmem:s19+$0x3060 ss:$0x81] =	vst.msk $0xffff, v2  }
.Ltmp3:
0x55: {  	v4 =	vld [tilespmem:s18+$0x0];
	[tilespmem:s19+$0x0 ss:$0x81] =	vst.msk $0xffff, v1;
	s19 =	sadd.s32 s23, s20;
	(pc) =	sbr.rel @p1 .LBB1_3-.Ltmp3, $4  }
0x56: {  	v3 =	vld [tilespmem:s18+$0x10];
	[tilespmem:s19+$0x3870 ss:$0x81] =	vst.msk $0xffff, v0  }
0x57: {  	[tilespmem:s19+$0x810 ss:$0x81] =	vst.msk $0xffff, v5;
	v2 =	vld [tilespmem:s18+$0x20]  }
0x58: {  	v1 =	vld [tilespmem:s18+$0xFFFFFFC0];
	[tilespmem:s19+$0x1020 ss:$0x81] =	vst.msk $0xffff, v6;
	s18 =	sadd.s32 $0x80, s18  }
0x59: {  	s22 =	sadd.s32 $0x4, s22;
	v0 =	vld [tilespmem:s18+$0x30];
	[tilespmem:s19+$0x1830 ss:$0x81] =	vst.msk $0xffff, v7  }
.Ltmp4:
0x5a: {  	_ = 	snop;
	(pc) =	sbr.rel .LBB1_4-.Ltmp4, $1  }
0x5b: {  	_ =	sdelay $0x3  }
.LBB1_6:
0x5c: {  	_ =	sfence.sel $0x180000  }
0x5d: {  	s1 =	simm.s32 $0x1;
	[bflag:$0x0] =	sbarrier.arrive $0xFFFF  }
0x5e: {  	s31 =	simm.s32 $0x2;
	[sflag:s1] =	ssyncpa.u1 $0x1  }
0x5f: {  	[sflag:s31] =	ssyncpa.u1 $0x1  }
0x60: {  	p0 =	sne.s32 s0, $0x0;
	_ =	strace $0x9000004A  }
0x61: {  	s0 =	sadd.s32 @!p0 $0x100000, s2;
	[bflag:$0x2] =	sbarrier.arrive $0xFFFF  }
0x62: {  	[sflag:s0] =	ssyncadd.tile.s32 @!p0 $0x1;
	_ =	shalt  }
.Lfunc_end1:
_tile_overlayer_lowered:
.L_overlay_start_2:
0x63: {  	(tag) =	ssettag $0x2  }
0x64: {  	s0 =	rddreg [dreg:$0x0];
	s2 =	stileid.u32  }
0x65: {  	s1 =	rddreg [dreg:$0x1];
	p0 =	sne.s32 s2, $0x0  }
0x66: {  	s3 =	rddreg [dreg:$0x2];
	[bflag:$0x3] =	sbarrier.arrive $0xFFFF;
	s2 =	simm.s32 @!p0 $0x1C01  }
0x67: {  	[timem:s3], [sflag:s2] =	dma.local @!p0 [hbm:s0], s1  }
0x68: {  	s0 =	simm.s32 @!p0 $0x1  }
0x69: {  	_ =	swait.ge @!p0 [sflag:s0], s1  }
0x6a: {  	s1 =	ssub.s32 @!p0 $0x0, s1;
	[sflag:s0] =	ssyncset.done @!p0 $0x0  }
0x6b: {  	[sflag:s0] =	ssyncadd.s32 @!p0 s1  }
0x6c: {  	[bflag:$0x3] =	sbarrier.arrive $0xFFFF  }
0x6d: {  	_ =	shalt  }

</sc_bundles>
